<compile_context>
chip_gen: v7x
topology: tpu7x:2x2x1
jax: 0.10.2.dev20260603
libtpu: 0.0.44.dev20260713+nightly
codegen_flags: <defaults>
</compile_context>

<pallas_src>
import functools

import jax
import jax.numpy as jnp
from jax import lax
from jax.experimental import pallas as pl
from jax.experimental.pallas import tpu as pltpu
from jax.experimental.pallas import tpu_sc as plsc

_N_SPLITS = 20
_DEFAULT = 1
_ROWS, _COLS = 16384, 26
_NC, _NS = 2, 16
_NW = _NC * _NS
_COLS_W = _ROWS // _NW
_LANES = 16
_CHUNKS = 4
_CW = _COLS_W // _CHUNKS
_CHUNK_ELEMS = _COLS * _CW
_CW_SHIFT = _CW.bit_length() - 1


def _build_sc_kernel():
    mesh = plsc.VectorSubcoreMesh(
        core_axis_name="c", subcore_axis_name="s", num_cores=_NC)

    @functools.partial(
        pl.kernel,
        mesh=mesh,
        out_type=jax.ShapeDtypeStruct((_COLS, _ROWS), jnp.int32),
        scratch_types=(
            [pltpu.VMEM((_COLS, _CW), jnp.int32)] * _CHUNKS
            + [pltpu.SemaphoreType.DMA] * _CHUNKS
            + [pltpu.SemaphoreType.DMA]
        ),
    )
    def sc_lookup(x_hbm, out_hbm, *scratch):
        bufs = scratch[:_CHUNKS]
        in_sems = scratch[_CHUNKS:2 * _CHUNKS]
        out_sem = scratch[2 * _CHUNKS]
        wid = lax.axis_index("s") * _NC + lax.axis_index("c")
        col0 = wid * _COLS_W

        in_copies = [
            pltpu.async_copy(
                x_hbm.at[:, pl.ds(col0 + k * _CW, _CW)], bufs[k], in_sems[k])
            for k in range(_CHUNKS)
        ]
        out_copies = []
        for k in range(_CHUNKS):
            in_copies[k].wait()
            buf = bufs[k]

            @plsc.parallel_loop(0, _CHUNK_ELEMS, step=_LANES, unroll=16)
            def _(i, buf=buf):
                r = i >> _CW_SHIFT
                c = pl.multiple_of(i & (_CW - 1), _LANES)
                x = buf[r, pl.ds(c, _LANES)]
                valid = (x >= -1) & (x <= _N_SPLITS)
                buf[r, pl.ds(c, _LANES)] = jnp.where(
                    valid, x + 1, jnp.int32(_DEFAULT))

            out_copies.append(
                pltpu.async_copy(
                    buf, out_hbm.at[:, pl.ds(col0 + k * _CW, _CW)], out_sem))
        for h in out_copies:
            h.wait()

    return sc_lookup


_sc_lookup = _build_sc_kernel()


@jax.jit
def kernel(inputs):
    return _sc_lookup(inputs.T).T

# --- scband reference (transcript-rebuilt; emitter-appended) ---
"""Pipeline reference for scband-vocabulary-34565896798459 (READ-ONLY COPY).

The authoritative reference and input builder live on the scoring server;
editing this copy changes nothing except your own understanding.
"""

import jax, jax.numpy as jnp
import numpy as np

KEYS_STR = "5, 10, 15, 20, 25, 30, 35, 40, 45, 50, 55, 60, 65, 70, 75, 80, 85, 90, 95, 100"
N_SPLITS = len(KEYS_STR.split(', '))  # 20
DEFAULT_VALUE = 1


def setup_inputs(seed: int = 0) -> dict:
    key = jax.random.key(seed)
    # is_bucket=True: hash-table keys are [-1, 0, 1, ..., N_SPLITS], values are [0, 1, ..., N_SPLITS+1]
    inputs = jax.random.randint(key, (16384, 26), 0, 21).astype(jnp.int32)
    return {"inputs": inputs}


def reference(inputs):
    # Faithful translation of tf.lookup.StaticHashTable with
    # keys = [-1, 0, ..., N_SPLITS], vals = [0, ..., N_SPLITS+1], default_value = 1.
    # Since keys are contiguous, lookup(x) = x + 1 when -1 <= x <= N_SPLITS, else default (1).
    vals = jnp.arange(N_SPLITS + 2, dtype=jnp.int32)
    shifted = inputs.astype(jnp.int32) + 1  # position of x within the key list
    valid = (inputs >= -1) & (inputs <= N_SPLITS)
    idx = jnp.clip(shifted, 0, N_SPLITS + 1)
    gathered = jnp.take(vals, idx, axis=0)
    return jnp.where(valid, gathered, jnp.int32(DEFAULT_VALUE))

if __name__ == "__main__":
    import jax
    _d = setup_inputs()
    print(jax.jit(kernel)(*tuple(_d.values())))

</pallas_src>

<mosaic_0001>
#map = affine_map<(d0, d1) -> (0, 0)>
module attributes {stable_mosaic.version = 14 : i64} {
  func.func @sc_lookup(%arg0: i32, %arg1: i32, %arg2: memref<26x16384xi32, #tpu.memory_space<hbm>>, %arg3: memref<26x16384xi32, #tpu.memory_space<hbm>>, %arg4: memref<26x128xi32, #tpu.memory_space<vmem>>, %arg5: memref<26x128xi32, #tpu.memory_space<vmem>>, %arg6: memref<26x128xi32, #tpu.memory_space<vmem>>, %arg7: memref<26x128xi32, #tpu.memory_space<vmem>>, %arg8: memref<!tpu.dma_semaphore, #tpu.memory_space<semaphore_mem>>, %arg9: memref<!tpu.dma_semaphore, #tpu.memory_space<semaphore_mem>>, %arg10: memref<!tpu.dma_semaphore, #tpu.memory_space<semaphore_mem>>, %arg11: memref<!tpu.dma_semaphore, #tpu.memory_space<semaphore_mem>>, %arg12: memref<!tpu.dma_semaphore, #tpu.memory_space<semaphore_mem>>) attributes {dimension_semantics = [#tpu.dimension_semantics<core_parallel>, #tpu.dimension_semantics<subcore_parallel>], iteration_bounds = array<i64: 2, 16>, scalar_prefetch = 0 : i64, scratch_operands = 9 : i64, tpu.core_type = #tpu.core_type<sc_vector_subcore>, window_params = [{transform_indices = #map}, {transform_indices = #map}]} {
    %mul3A = arith.constant 2 : i32
    %mul3A_0 = arith.muli %arg1, %mul3A : i32
    %add3A = arith.addi %mul3A_0, %arg0 : i32
    %mul3A_1 = arith.constant 512 : i32
    %mul3A_2 = arith.muli %add3A, %mul3A_1 : i32
    %add3A_3 = arith.constant 0 : i32
    %add3A_4 = arith.addi %mul3A_2, %add3A_3 : i32
    %dma_start3A = arith.constant 0 : i32
    %dma_start3A_5 = tpu.memref_slice %arg2[%dma_start3A, %add3A_4] : memref<26x16384xi32, #tpu.memory_space<hbm>> -> memref<26x128xi32, #tpu.memory_space<hbm>>
    %dma_start3A_6 = arith.constant 0 : i32
    %dma_start3A_7 = tpu.memref_slice %arg2[%dma_start3A_6, %add3A_4] : memref<26x16384xi32, #tpu.memory_space<hbm>> -> memref<26x128xi32, #tpu.memory_space<hbm>>
    tpu.enqueue_dma source(%dma_start3A_7 : memref<26x128xi32, #tpu.memory_space<hbm>>) target(%arg4 : memref<26x128xi32, #tpu.memory_space<vmem>>) target_semaphore(%arg8 : memref<!tpu.dma_semaphore, #tpu.memory_space<semaphore_mem>>)
    %add3A_8 = arith.constant 128 : i32
    %add3A_9 = arith.addi %mul3A_2, %add3A_8 : i32
    %dma_start3A_10 = arith.constant 0 : i32
    %dma_start3A_11 = tpu.memref_slice %arg2[%dma_start3A_10, %add3A_9] : memref<26x16384xi32, #tpu.memory_space<hbm>> -> memref<26x128xi32, #tpu.memory_space<hbm>>
    %dma_start3A_12 = arith.constant 0 : i32
    %dma_start3A_13 = tpu.memref_slice %arg2[%dma_start3A_12, %add3A_9] : memref<26x16384xi32, #tpu.memory_space<hbm>> -> memref<26x128xi32, #tpu.memory_space<hbm>>
    tpu.enqueue_dma source(%dma_start3A_13 : memref<26x128xi32, #tpu.memory_space<hbm>>) target(%arg5 : memref<26x128xi32, #tpu.memory_space<vmem>>) target_semaphore(%arg9 : memref<!tpu.dma_semaphore, #tpu.memory_space<semaphore_mem>>)
    %add3A_14 = arith.constant 256 : i32
    %add3A_15 = arith.addi %mul3A_2, %add3A_14 : i32
    %dma_start3A_16 = arith.constant 0 : i32
    %dma_start3A_17 = tpu.memref_slice %arg2[%dma_start3A_16, %add3A_15] : memref<26x16384xi32, #tpu.memory_space<hbm>> -> memref<26x128xi32, #tpu.memory_space<hbm>>
    %dma_start3A_18 = arith.constant 0 : i32
    %dma_start3A_19 = tpu.memref_slice %arg2[%dma_start3A_18, %add3A_15] : memref<26x16384xi32, #tpu.memory_space<hbm>> -> memref<26x128xi32, #tpu.memory_space<hbm>>
    tpu.enqueue_dma source(%dma_start3A_19 : memref<26x128xi32, #tpu.memory_space<hbm>>) target(%arg6 : memref<26x128xi32, #tpu.memory_space<vmem>>) target_semaphore(%arg10 : memref<!tpu.dma_semaphore, #tpu.memory_space<semaphore_mem>>)
    %add3A_20 = arith.constant 384 : i32
    %add3A_21 = arith.addi %mul3A_2, %add3A_20 : i32
    %dma_start3A_22 = arith.constant 0 : i32
    %dma_start3A_23 = tpu.memref_slice %arg2[%dma_start3A_22, %add3A_21] : memref<26x16384xi32, #tpu.memory_space<hbm>> -> memref<26x128xi32, #tpu.memory_space<hbm>>
    %dma_start3A_24 = arith.constant 0 : i32
    %dma_start3A_25 = tpu.memref_slice %arg2[%dma_start3A_24, %add3A_21] : memref<26x16384xi32, #tpu.memory_space<hbm>> -> memref<26x128xi32, #tpu.memory_space<hbm>>
    tpu.enqueue_dma source(%dma_start3A_25 : memref<26x128xi32, #tpu.memory_space<hbm>>) target(%arg7 : memref<26x128xi32, #tpu.memory_space<vmem>>) target_semaphore(%arg11 : memref<!tpu.dma_semaphore, #tpu.memory_space<semaphore_mem>>)
    %dma_wait3A = arith.constant 0 : i32
    %dma_wait3A_26 = tpu.memref_slice %arg2[%dma_wait3A, %add3A_4] : memref<26x16384xi32, #tpu.memory_space<hbm>> -> memref<26x128xi32, #tpu.memory_space<hbm>>
    %dma_wait3A_27 = arith.constant 0 : i32
    %dma_wait3A_28 = tpu.memref_slice %arg2[%dma_wait3A_27, %add3A_4] : memref<26x16384xi32, #tpu.memory_space<hbm>> -> memref<26x128xi32, #tpu.memory_space<hbm>>
    tpu.wait_dma2 semaphore(%arg8 : memref<!tpu.dma_semaphore, #tpu.memory_space<semaphore_mem>>) src(%dma_wait3A_28 : memref<26x128xi32, #tpu.memory_space<hbm>>) dst(%arg4 : memref<26x128xi32, #tpu.memory_space<vmem>>)
    %parallel_loop3A = arith.constant 0 : i32
    %parallel_loop3A_29 = arith.constant 3328 : i32
    %parallel_loop3A_30 = arith.constant 16 : i32
    scf.for %parallel_loop3A_92 = %parallel_loop3A to %parallel_loop3A_29 step %parallel_loop3A_30  : i32 {
      %parallel_loop3A_93 = arith.constant 7 : i32
      %parallel_loop3A_94 = arith.shrsi %parallel_loop3A_92, %parallel_loop3A_93 : i32
      %parallel_loop3A_95 = arith.constant 127 : i32
      %parallel_loop3A_96 = arith.andi %parallel_loop3A_92, %parallel_loop3A_95 : i32
      %parallel_loop3A_97 = tpu.assume_multiple %parallel_loop3A_96, 16 : i32
      %parallel_loop3A_98 = arith.index_cast %parallel_loop3A_94 : i32 to index
      %parallel_loop3A_99 = arith.index_cast %parallel_loop3A_97 : i32 to index
      %parallel_loop3A_100 = tpu.vector_load %arg4[%parallel_loop3A_98, %parallel_loop3A_99] {strides = array<i32>} : memref<26x128xi32, #tpu.memory_space<vmem>>, vector<1x16xi32>,
      %parallel_loop3A_101 = vector.shape_cast %parallel_loop3A_100 : vector<1x16xi32> to vector<16xi32>
      %parallel_loop3A_102 = arith.constant -1 : i32
      %parallel_loop3A_103 = vector.broadcast %parallel_loop3A_102 : i32 to vector<16xi32>
      %parallel_loop3A_104 = arith.cmpi sge, %parallel_loop3A_101, %parallel_loop3A_103 : vector<16xi32>
      %parallel_loop3A_105 = arith.constant 20 : i32
      %parallel_loop3A_106 = vector.broadcast %parallel_loop3A_105 : i32 to vector<16xi32>
      %parallel_loop3A_107 = arith.cmpi sle, %parallel_loop3A_101, %parallel_loop3A_106 : vector<16xi32>
      %parallel_loop3A_108 = arith.andi %parallel_loop3A_104, %parallel_loop3A_107 : vector<16xi1>
      %parallel_loop3A_109 = arith.constant 1 : i32
      %parallel_loop3A_110 = vector.broadcast %parallel_loop3A_109 : i32 to vector<16xi32>
      %parallel_loop3A_111 = arith.addi %parallel_loop3A_101, %parallel_loop3A_110 : vector<16xi32>
      %parallel_loop3A_112 = arith.constant 1 : i32
      %parallel_loop3A_113 = vector.broadcast %parallel_loop3A_112 : i32 to vector<16xi32>
      %parallel_loop3A_114 = arith.select %parallel_loop3A_108, %parallel_loop3A_111, %parallel_loop3A_113 : vector<16xi1>, vector<16xi32>
      %parallel_loop3A_115 = arith.index_cast %parallel_loop3A_94 : i32 to index
      %parallel_loop3A_116 = arith.index_cast %parallel_loop3A_97 : i32 to index
      %parallel_loop3A_117 = tpu.vector_load %arg4[%parallel_loop3A_115, %parallel_loop3A_116] {strides = array<i32>} : memref<26x128xi32, #tpu.memory_space<vmem>>, vector<1x16xi32>,
      %parallel_loop3A_118 = vector.shape_cast %parallel_loop3A_117 : vector<1x16xi32> to vector<16xi32>
      %parallel_loop3A_119 = vector.shape_cast %parallel_loop3A_114 : vector<16xi32> to vector<1x16xi32>
      tpu.vector_store %arg4[%parallel_loop3A_115, %parallel_loop3A_116], %parallel_loop3A_119 {strides = array<i32>} : memref<26x128xi32, #tpu.memory_space<vmem>>, vector<1x16xi32>,
    } {sc.loop_unroll_factor = 16 : i64, sc.parallel_access}
    %add3A_31 = arith.constant 0 : i32
    %add3A_32 = arith.addi %mul3A_2, %add3A_31 : i32
    %dma_start3A_33 = arith.constant 0 : i32
    %dma_start3A_34 = tpu.memref_slice %arg3[%dma_start3A_33, %add3A_32] : memref<26x16384xi32, #tpu.memory_space<hbm>> -> memref<26x128xi32, #tpu.memory_space<hbm>>
    %dma_start3A_35 = arith.constant 0 : i32
    %dma_start3A_36 = tpu.memref_slice %arg3[%dma_start3A_35, %add3A_32] : memref<26x16384xi32, #tpu.memory_space<hbm>> -> memref<26x128xi32, #tpu.memory_space<hbm>>
    tpu.enqueue_dma source(%arg4 : memref<26x128xi32, #tpu.memory_space<vmem>>) target(%dma_start3A_36 : memref<26x128xi32, #tpu.memory_space<hbm>>) target_semaphore(%arg12 : memref<!tpu.dma_semaphore, #tpu.memory_space<semaphore_mem>>)
    %dma_wait3A_37 = arith.constant 0 : i32
    %dma_wait3A_38 = tpu.memref_slice %arg2[%dma_wait3A_37, %add3A_9] : memref<26x16384xi32, #tpu.memory_space<hbm>> -> memref<26x128xi32, #tpu.memory_space<hbm>>
    %dma_wait3A_39 = arith.constant 0 : i32
    %dma_wait3A_40 = tpu.memref_slice %arg2[%dma_wait3A_39, %add3A_9] : memref<26x16384xi32, #tpu.memory_space<hbm>> -> memref<26x128xi32, #tpu.memory_space<hbm>>
    tpu.wait_dma2 semaphore(%arg9 : memref<!tpu.dma_semaphore, #tpu.memory_space<semaphore_mem>>) src(%dma_wait3A_40 : memref<26x128xi32, #tpu.memory_space<hbm>>) dst(%arg5 : memref<26x128xi32, #tpu.memory_space<vmem>>)
    %parallel_loop3A_41 = arith.constant 0 : i32
    %parallel_loop3A_42 = arith.constant 3328 : i32
    %parallel_loop3A_43 = arith.constant 16 : i32
    scf.for %parallel_loop3A_92 = %parallel_loop3A_41 to %parallel_loop3A_42 step %parallel_loop3A_43  : i32 {
      %parallel_loop3A_93 = arith.constant 7 : i32
      %parallel_loop3A_94 = arith.shrsi %parallel_loop3A_92, %parallel_loop3A_93 : i32
      %parallel_loop3A_95 = arith.constant 127 : i32
      %parallel_loop3A_96 = arith.andi %parallel_loop3A_92, %parallel_loop3A_95 : i32
      %parallel_loop3A_97 = tpu.assume_multiple %parallel_loop3A_96, 16 : i32
      %parallel_loop3A_98 = arith.index_cast %parallel_loop3A_94 : i32 to index
      %parallel_loop3A_99 = arith.index_cast %parallel_loop3A_97 : i32 to index
      %parallel_loop3A_100 = tpu.vector_load %arg5[%parallel_loop3A_98, %parallel_loop3A_99] {strides = array<i32>} : memref<26x128xi32, #tpu.memory_space<vmem>>, vector<1x16xi32>,
      %parallel_loop3A_101 = vector.shape_cast %parallel_loop3A_100 : vector<1x16xi32> to vector<16xi32>
      %parallel_loop3A_102 = arith.constant -1 : i32
      %parallel_loop3A_103 = vector.broadcast %parallel_loop3A_102 : i32 to vector<16xi32>
      %parallel_loop3A_104 = arith.cmpi sge, %parallel_loop3A_101, %parallel_loop3A_103 : vector<16xi32>
      %parallel_loop3A_105 = arith.constant 20 : i32
      %parallel_loop3A_106 = vector.broadcast %parallel_loop3A_105 : i32 to vector<16xi32>
      %parallel_loop3A_107 = arith.cmpi sle, %parallel_loop3A_101, %parallel_loop3A_106 : vector<16xi32>
      %parallel_loop3A_108 = arith.andi %parallel_loop3A_104, %parallel_loop3A_107 : vector<16xi1>
      %parallel_loop3A_109 = arith.constant 1 : i32
      %parallel_loop3A_110 = vector.broadcast %parallel_loop3A_109 : i32 to vector<16xi32>
      %parallel_loop3A_111 = arith.addi %parallel_loop3A_101, %parallel_loop3A_110 : vector<16xi32>
      %parallel_loop3A_112 = arith.constant 1 : i32
      %parallel_loop3A_113 = vector.broadcast %parallel_loop3A_112 : i32 to vector<16xi32>
      %parallel_loop3A_114 = arith.select %parallel_loop3A_108, %parallel_loop3A_111, %parallel_loop3A_113 : vector<16xi1>, vector<16xi32>
      %parallel_loop3A_115 = arith.index_cast %parallel_loop3A_94 : i32 to index
      %parallel_loop3A_116 = arith.index_cast %parallel_loop3A_97 : i32 to index
      %parallel_loop3A_117 = tpu.vector_load %arg5[%parallel_loop3A_115, %parallel_loop3A_116] {strides = array<i32>} : memref<26x128xi32, #tpu.memory_space<vmem>>, vector<1x16xi32>,
      %parallel_loop3A_118 = vector.shape_cast %parallel_loop3A_117 : vector<1x16xi32> to vector<16xi32>
      %parallel_loop3A_119 = vector.shape_cast %parallel_loop3A_114 : vector<16xi32> to vector<1x16xi32>
      tpu.vector_store %arg5[%parallel_loop3A_115, %parallel_loop3A_116], %parallel_loop3A_119 {strides = array<i32>} : memref<26x128xi32, #tpu.memory_space<vmem>>, vector<1x16xi32>,
    } {sc.loop_unroll_factor = 16 : i64, sc.parallel_access}
    %add3A_44 = arith.constant 128 : i32
    %add3A_45 = arith.addi %mul3A_2, %add3A_44 : i32
    %dma_start3A_46 = arith.constant 0 : i32
    %dma_start3A_47 = tpu.memref_slice %arg3[%dma_start3A_46, %add3A_45] : memref<26x16384xi32, #tpu.memory_space<hbm>> -> memref<26x128xi32, #tpu.memory_space<hbm>>
    %dma_start3A_48 = arith.constant 0 : i32
    %dma_start3A_49 = tpu.memref_slice %arg3[%dma_start3A_48, %add3A_45] : memref<26x16384xi32, #tpu.memory_space<hbm>> -> memref<26x128xi32, #tpu.memory_space<hbm>>
    tpu.enqueue_dma source(%arg5 : memref<26x128xi32, #tpu.memory_space<vmem>>) target(%dma_start3A_49 : memref<26x128xi32, #tpu.memory_space<hbm>>) target_semaphore(%arg12 : memref<!tpu.dma_semaphore, #tpu.memory_space<semaphore_mem>>)
    %dma_wait3A_50 = arith.constant 0 : i32
    %dma_wait3A_51 = tpu.memref_slice %arg2[%dma_wait3A_50, %add3A_15] : memref<26x16384xi32, #tpu.memory_space<hbm>> -> memref<26x128xi32, #tpu.memory_space<hbm>>
    %dma_wait3A_52 = arith.constant 0 : i32
    %dma_wait3A_53 = tpu.memref_slice %arg2[%dma_wait3A_52, %add3A_15] : memref<26x16384xi32, #tpu.memory_space<hbm>> -> memref<26x128xi32, #tpu.memory_space<hbm>>
    tpu.wait_dma2 semaphore(%arg10 : memref<!tpu.dma_semaphore, #tpu.memory_space<semaphore_mem>>) src(%dma_wait3A_53 : memref<26x128xi32, #tpu.memory_space<hbm>>) dst(%arg6 : memref<26x128xi32, #tpu.memory_space<vmem>>)
    %parallel_loop3A_54 = arith.constant 0 : i32
    %parallel_loop3A_55 = arith.constant 3328 : i32
    %parallel_loop3A_56 = arith.constant 16 : i32
    scf.for %parallel_loop3A_92 = %parallel_loop3A_54 to %parallel_loop3A_55 step %parallel_loop3A_56  : i32 {
      %parallel_loop3A_93 = arith.constant 7 : i32
      %parallel_loop3A_94 = arith.shrsi %parallel_loop3A_92, %parallel_loop3A_93 : i32
      %parallel_loop3A_95 = arith.constant 127 : i32
      %parallel_loop3A_96 = arith.andi %parallel_loop3A_92, %parallel_loop3A_95 : i32
      %parallel_loop3A_97 = tpu.assume_multiple %parallel_loop3A_96, 16 : i32
      %parallel_loop3A_98 = arith.index_cast %parallel_loop3A_94 : i32 to index
      %parallel_loop3A_99 = arith.index_cast %parallel_loop3A_97 : i32 to index
      %parallel_loop3A_100 = tpu.vector_load %arg6[%parallel_loop3A_98, %parallel_loop3A_99] {strides = array<i32>} : memref<26x128xi32, #tpu.memory_space<vmem>>, vector<1x16xi32>,
      %parallel_loop3A_101 = vector.shape_cast %parallel_loop3A_100 : vector<1x16xi32> to vector<16xi32>
      %parallel_loop3A_102 = arith.constant -1 : i32
      %parallel_loop3A_103 = vector.broadcast %parallel_loop3A_102 : i32 to vector<16xi32>
      %parallel_loop3A_104 = arith.cmpi sge, %parallel_loop3A_101, %parallel_loop3A_103 : vector<16xi32>
      %parallel_loop3A_105 = arith.constant 20 : i32
      %parallel_loop3A_106 = vector.broadcast %parallel_loop3A_105 : i32 to vector<16xi32>
      %parallel_loop3A_107 = arith.cmpi sle, %parallel_loop3A_101, %parallel_loop3A_106 : vector<16xi32>
      %parallel_loop3A_108 = arith.andi %parallel_loop3A_104, %parallel_loop3A_107 : vector<16xi1>
      %parallel_loop3A_109 = arith.constant 1 : i32
      %parallel_loop3A_110 = vector.broadcast %parallel_loop3A_109 : i32 to vector<16xi32>
      %parallel_loop3A_111 = arith.addi %parallel_loop3A_101, %parallel_loop3A_110 : vector<16xi32>
      %parallel_loop3A_112 = arith.constant 1 : i32
      %parallel_loop3A_113 = vector.broadcast %parallel_loop3A_112 : i32 to vector<16xi32>
      %parallel_loop3A_114 = arith.select %parallel_loop3A_108, %parallel_loop3A_111, %parallel_loop3A_113 : vector<16xi1>, vector<16xi32>
      %parallel_loop3A_115 = arith.index_cast %parallel_loop3A_94 : i32 to index
      %parallel_loop3A_116 = arith.index_cast %parallel_loop3A_97 : i32 to index
      %parallel_loop3A_117 = tpu.vector_load %arg6[%parallel_loop3A_115, %parallel_loop3A_116] {strides = array<i32>} : memref<26x128xi32, #tpu.memory_space<vmem>>, vector<1x16xi32>,
      %parallel_loop3A_118 = vector.shape_cast %parallel_loop3A_117 : vector<1x16xi32> to vector<16xi32>
      %parallel_loop3A_119 = vector.shape_cast %parallel_loop3A_114 : vector<16xi32> to vector<1x16xi32>
      tpu.vector_store %arg6[%parallel_loop3A_115, %parallel_loop3A_116], %parallel_loop3A_119 {strides = array<i32>} : memref<26x128xi32, #tpu.memory_space<vmem>>, vector<1x16xi32>,
    } {sc.loop_unroll_factor = 16 : i64, sc.parallel_access}
    %add3A_57 = arith.constant 256 : i32
    %add3A_58 = arith.addi %mul3A_2, %add3A_57 : i32
    %dma_start3A_59 = arith.constant 0 : i32
    %dma_start3A_60 = tpu.memref_slice %arg3[%dma_start3A_59, %add3A_58] : memref<26x16384xi32, #tpu.memory_space<hbm>> -> memref<26x128xi32, #tpu.memory_space<hbm>>
    %dma_start3A_61 = arith.constant 0 : i32
    %dma_start3A_62 = tpu.memref_slice %arg3[%dma_start3A_61, %add3A_58] : memref<26x16384xi32, #tpu.memory_space<hbm>> -> memref<26x128xi32, #tpu.memory_space<hbm>>
    tpu.enqueue_dma source(%arg6 : memref<26x128xi32, #tpu.memory_space<vmem>>) target(%dma_start3A_62 : memref<26x128xi32, #tpu.memory_space<hbm>>) target_semaphore(%arg12 : memref<!tpu.dma_semaphore, #tpu.memory_space<semaphore_mem>>)
    %dma_wait3A_63 = arith.constant 0 : i32
    %dma_wait3A_64 = tpu.memref_slice %arg2[%dma_wait3A_63, %add3A_21] : memref<26x16384xi32, #tpu.memory_space<hbm>> -> memref<26x128xi32, #tpu.memory_space<hbm>>
    %dma_wait3A_65 = arith.constant 0 : i32
    %dma_wait3A_66 = tpu.memref_slice %arg2[%dma_wait3A_65, %add3A_21] : memref<26x16384xi32, #tpu.memory_space<hbm>> -> memref<26x128xi32, #tpu.memory_space<hbm>>
    tpu.wait_dma2 semaphore(%arg11 : memref<!tpu.dma_semaphore, #tpu.memory_space<semaphore_mem>>) src(%dma_wait3A_66 : memref<26x128xi32, #tpu.memory_space<hbm>>) dst(%arg7 : memref<26x128xi32, #tpu.memory_space<vmem>>)
    %parallel_loop3A_67 = arith.constant 0 : i32
    %parallel_loop3A_68 = arith.constant 3328 : i32
    %parallel_loop3A_69 = arith.constant 16 : i32
    scf.for %parallel_loop3A_92 = %parallel_loop3A_67 to %parallel_loop3A_68 step %parallel_loop3A_69  : i32 {
      %parallel_loop3A_93 = arith.constant 7 : i32
      %parallel_loop3A_94 = arith.shrsi %parallel_loop3A_92, %parallel_loop3A_93 : i32
      %parallel_loop3A_95 = arith.constant 127 : i32
      %parallel_loop3A_96 = arith.andi %parallel_loop3A_92, %parallel_loop3A_95 : i32
      %parallel_loop3A_97 = tpu.assume_multiple %parallel_loop3A_96, 16 : i32
      %parallel_loop3A_98 = arith.index_cast %parallel_loop3A_94 : i32 to index
      %parallel_loop3A_99 = arith.index_cast %parallel_loop3A_97 : i32 to index
      %parallel_loop3A_100 = tpu.vector_load %arg7[%parallel_loop3A_98, %parallel_loop3A_99] {strides = array<i32>} : memref<26x128xi32, #tpu.memory_space<vmem>>, vector<1x16xi32>,
      %parallel_loop3A_101 = vector.shape_cast %parallel_loop3A_100 : vector<1x16xi32> to vector<16xi32>
      %parallel_loop3A_102 = arith.constant -1 : i32
      %parallel_loop3A_103 = vector.broadcast %parallel_loop3A_102 : i32 to vector<16xi32>
      %parallel_loop3A_104 = arith.cmpi sge, %parallel_loop3A_101, %parallel_loop3A_103 : vector<16xi32>
      %parallel_loop3A_105 = arith.constant 20 : i32
      %parallel_loop3A_106 = vector.broadcast %parallel_loop3A_105 : i32 to vector<16xi32>
      %parallel_loop3A_107 = arith.cmpi sle, %parallel_loop3A_101, %parallel_loop3A_106 : vector<16xi32>
      %parallel_loop3A_108 = arith.andi %parallel_loop3A_104, %parallel_loop3A_107 : vector<16xi1>
      %parallel_loop3A_109 = arith.constant 1 : i32
      %parallel_loop3A_110 = vector.broadcast %parallel_loop3A_109 : i32 to vector<16xi32>
      %parallel_loop3A_111 = arith.addi %parallel_loop3A_101, %parallel_loop3A_110 : vector<16xi32>
      %parallel_loop3A_112 = arith.constant 1 : i32
      %parallel_loop3A_113 = vector.broadcast %parallel_loop3A_112 : i32 to vector<16xi32>
      %parallel_loop3A_114 = arith.select %parallel_loop3A_108, %parallel_loop3A_111, %parallel_loop3A_113 : vector<16xi1>, vector<16xi32>
      %parallel_loop3A_115 = arith.index_cast %parallel_loop3A_94 : i32 to index
      %parallel_loop3A_116 = arith.index_cast %parallel_loop3A_97 : i32 to index
      %parallel_loop3A_117 = tpu.vector_load %arg7[%parallel_loop3A_115, %parallel_loop3A_116] {strides = array<i32>} : memref<26x128xi32, #tpu.memory_space<vmem>>, vector<1x16xi32>,
      %parallel_loop3A_118 = vector.shape_cast %parallel_loop3A_117 : vector<1x16xi32> to vector<16xi32>
      %parallel_loop3A_119 = vector.shape_cast %parallel_loop3A_114 : vector<16xi32> to vector<1x16xi32>
      tpu.vector_store %arg7[%parallel_loop3A_115, %parallel_loop3A_116], %parallel_loop3A_119 {strides = array<i32>} : memref<26x128xi32, #tpu.memory_space<vmem>>, vector<1x16xi32>,
    } {sc.loop_unroll_factor = 16 : i64, sc.parallel_access}
    %add3A_70 = arith.constant 384 : i32
    %add3A_71 = arith.addi %mul3A_2, %add3A_70 : i32
    %dma_start3A_72 = arith.constant 0 : i32
    %dma_start3A_73 = tpu.memref_slice %arg3[%dma_start3A_72, %add3A_71] : memref<26x16384xi32, #tpu.memory_space<hbm>> -> memref<26x128xi32, #tpu.memory_space<hbm>>
    %dma_start3A_74 = arith.constant 0 : i32
    %dma_start3A_75 = tpu.memref_slice %arg3[%dma_start3A_74, %add3A_71] : memref<26x16384xi32, #tpu.memory_space<hbm>> -> memref<26x128xi32, #tpu.memory_space<hbm>>
    tpu.enqueue_dma source(%arg7 : memref<26x128xi32, #tpu.memory_space<vmem>>) target(%dma_start3A_75 : memref<26x128xi32, #tpu.memory_space<hbm>>) target_semaphore(%arg12 : memref<!tpu.dma_semaphore, #tpu.memory_space<semaphore_mem>>)
    %dma_wait3A_76 = arith.constant 0 : i32
    %dma_wait3A_77 = tpu.memref_slice %arg3[%dma_wait3A_76, %add3A_32] : memref<26x16384xi32, #tpu.memory_space<hbm>> -> memref<26x128xi32, #tpu.memory_space<hbm>>
    %dma_wait3A_78 = arith.constant 0 : i32
    %dma_wait3A_79 = tpu.memref_slice %arg3[%dma_wait3A_78, %add3A_32] : memref<26x16384xi32, #tpu.memory_space<hbm>> -> memref<26x128xi32, #tpu.memory_space<hbm>>
    tpu.wait_dma2 semaphore(%arg12 : memref<!tpu.dma_semaphore, #tpu.memory_space<semaphore_mem>>) src(%arg4 : memref<26x128xi32, #tpu.memory_space<vmem>>) dst(%dma_wait3A_79 : memref<26x128xi32, #tpu.memory_space<hbm>>)
    %dma_wait3A_80 = arith.constant 0 : i32
    %dma_wait3A_81 = tpu.memref_slice %arg3[%dma_wait3A_80, %add3A_45] : memref<26x16384xi32, #tpu.memory_space<hbm>> -> memref<26x128xi32, #tpu.memory_space<hbm>>
    %dma_wait3A_82 = arith.constant 0 : i32
    %dma_wait3A_83 = tpu.memref_slice %arg3[%dma_wait3A_82, %add3A_45] : memref<26x16384xi32, #tpu.memory_space<hbm>> -> memref<26x128xi32, #tpu.memory_space<hbm>>
    tpu.wait_dma2 semaphore(%arg12 : memref<!tpu.dma_semaphore, #tpu.memory_space<semaphore_mem>>) src(%arg5 : memref<26x128xi32, #tpu.memory_space<vmem>>) dst(%dma_wait3A_83 : memref<26x128xi32, #tpu.memory_space<hbm>>)
    %dma_wait3A_84 = arith.constant 0 : i32
    %dma_wait3A_85 = tpu.memref_slice %arg3[%dma_wait3A_84, %add3A_58] : memref<26x16384xi32, #tpu.memory_space<hbm>> -> memref<26x128xi32, #tpu.memory_space<hbm>>
    %dma_wait3A_86 = arith.constant 0 : i32
    %dma_wait3A_87 = tpu.memref_slice %arg3[%dma_wait3A_86, %add3A_58] : memref<26x16384xi32, #tpu.memory_space<hbm>> -> memref<26x128xi32, #tpu.memory_space<hbm>>
    tpu.wait_dma2 semaphore(%arg12 : memref<!tpu.dma_semaphore, #tpu.memory_space<semaphore_mem>>) src(%arg6 : memref<26x128xi32, #tpu.memory_space<vmem>>) dst(%dma_wait3A_87 : memref<26x128xi32, #tpu.memory_space<hbm>>)
    %dma_wait3A_88 = arith.constant 0 : i32
    %dma_wait3A_89 = tpu.memref_slice %arg3[%dma_wait3A_88, %add3A_71] : memref<26x16384xi32, #tpu.memory_space<hbm>> -> memref<26x128xi32, #tpu.memory_space<hbm>>
    %dma_wait3A_90 = arith.constant 0 : i32
    %dma_wait3A_91 = tpu.memref_slice %arg3[%dma_wait3A_90, %add3A_71] : memref<26x16384xi32, #tpu.memory_space<hbm>> -> memref<26x128xi32, #tpu.memory_space<hbm>>
    tpu.wait_dma2 semaphore(%arg12 : memref<!tpu.dma_semaphore, #tpu.memory_space<semaphore_mem>>) src(%arg7 : memref<26x128xi32, #tpu.memory_space<vmem>>) dst(%dma_wait3A_91 : memref<26x128xi32, #tpu.memory_space<hbm>>)
    return
  }
}

</mosaic_0001>

<sc_bundles>
// kernel: kernel.3.cloned.1.call-start
scs
__scs_entry_jumppad:
0x0: {  	(pc) =	sbr.rel $0x88, $3  }
0x1: {  	(tag) =	ssettag $0x0;
	lr =	simm.s32 $0x1  }
0x2: {  	[smem:$0x3FA0] =	sst lr;
	_ =	strace $0xD0000000  }
0x3: {  	_ = 	snop  }
0x4: {  	_ = 	snop  }
0x5: {  	_ = 	snop  }
0x6: {  	_ = 	snop  }
0x7: {  	_ = 	snop  }
__scs_overlays_trampoline_lowered:
0x8: {  	[smem:$0x3FAF] =	sst s0  }
0x9: {  	[smem:$0x3FB0] =	sst s1  }
0xa: {  	[smem:$0x3FB1] =	sst s2  }
0xb: {  	[smem:$0x3FB2] =	sst s3  }
0xc: {  	[smem:$0x3FB3] =	sst s4  }
0xd: {  	[smem:$0x3FB4] =	sst s5  }
0xe: {  	[smem:$0x3FB5] =	sst s6  }
0xf: {  	[smem:$0x3FB6] =	sst s7  }
0x10: {  	[smem:$0x3FB7] =	sst s8  }
0x11: {  	[smem:$0x3FB8] =	sst s9;
	s0 =	simm.s32 @!p0 $0x0  }
0x12: {  	s1 =	sld [smem:$0x3F9E];
	s0 =	simm.s32 @p0 $0x1  }
0x13: {  	[smem:$0x3FB9] =	sst s0;
	s0 =	simm.s32 @!p1 $0x0  }
0x14: {  	s2 =	sld [smem:$0x3F9D];
	s0 =	simm.s32 @p1 $0x1  }
0x15: {  	[smem:$0x3FBA] =	sst s0;
	s0 =	simm.s32 @!p2 $0x0  }
0x16: {  	s3 =	sld [smem:$0x3FDB];
	s0 =	simm.s32 @p2 $0x1  }
0x17: {  	s4 =	simm.s32 $0x1BF5;
	[smem:$0x3FBC] =	sst s0  }
0x18: {  	s0 =	sld [smem:$0x3F9F];
	_ =	swait.ge [sflag:s4], $0x0  }
0x19: {  	s7 =	sld [smem:$0x3FA0]  }
0x1a: {  	s8 =	sadd.s32 $0xFFFFE003, lr  }
0x1b: {  	s9 =	sadd.s32 $0xFFFFFEF7, lr;
	s5 =	simm.s32 $0xFFFFFFFF;
	p2 =	slt.u32 s8, $0xFFFFF086  }
0x1c: {  	p1 =	slt.u32 s9, $0xF7A;
	s5 =	simm.s32 @!p2 $0x0  }
0x1d: {  	s5 =	simm.s32 @p1 $0x1;
	p0 =	seq.s32 s7, s2  }
0x1e: {  	s7 =	smul.u32 @!p0 $0xF7A, s2;
	p2 =	seq.s32 @!p0 s5, $0x0  }
0x1f: {  	s9 =	smul.u32 $0xF7A, s1;
	s8 =	simm.s32 @!p0 $0x1BF5;
	p2 =	por !p2, p0  }
0x20: {  	[sflag:s8] =	ssyncset.s32 @!p0 $0xFFFFF086;
	s6 =	sadd.s32 @!p0 s3, s7;
	s7 =	simm.s32 @!p0 $0x108  }
0x21: {  	s3 =	sadd.s32 s3, s9;
	s6 =	sadd.s32 @!p0 $0x88, s6;
	s7 =	simm.s32 @p2 $0x1082  }
0x22: {  	[simem:s7], [sflag:s8] =	dma.local @!p0 [hbm:s6], $0xF7A  }
0x23: {  	s9 =	sor.u32 $0xD0000000, s2;
	s6 =	simm.s32 $0x108;
	_ =	swait.ge @!p0 [sflag:s8], $0x0  }
0x24: {  	s3 =	sadd.s32 $0x88, s3;
	s6 =	simm.s32 @!p1 $0x1082;
	[sflag:s4] =	ssyncset.s32 $0xFFFFF086  }
0x25: {  	[simem:s6], [sflag:s4] =	dma.local [hbm:s3], $0xF7A  }
0x26: {  	[smem:$0x3FA0] =	sst s1;
	(tag) =	ssettag s2;
	_ =	strace s9  }
0x27: {  	s1 =	sld [smem:$0x3FB0]  }
0x28: {  	s2 =	sld [smem:$0x3FB1]  }
0x29: {  	s4 =	sld [smem:$0x3FB3]  }
0x2a: {  	p0 =	seq.s32 s5, $0x0;
	s5 =	sld [smem:$0x3FB4]  }
0x2b: {  	s6 =	sld [smem:$0x3FB5]  }
0x2c: {  	s7 =	sld [smem:$0x3FB6]  }
0x2d: {  	s3 =	simm.s32 $0x108;
	s8 =	sld [smem:$0x3FB7]  }
0x2e: {  	s3 =	simm.s32 @!p0 $0x1082;
	s9 =	sld [smem:$0x3FB8]  }
0x2f: {  	lr =	sadd.s32 s0, s3;
	s0 =	sld [smem:$0x3FAF]  }
0x30: {  	s3 =	sld [smem:$0x3FB2]  }
0x31: {  	[smem:$0x3FBB] =	sst s10  }
0x32: {  	s10 =	sld [smem:$0x3FB9];
	_ =	sdelay $0x3  }
0x33: {  	p0 =	seq.s32 s10, $0x1;
	s10 =	sld [smem:$0x3FBB];
	_ =	sdelay $0x3  }
0x34: {  	[smem:$0x3FBB] =	sst s10  }
0x35: {  	s10 =	sld [smem:$0x3FBA];
	_ =	sdelay $0x3  }
0x36: {  	p1 =	seq.s32 s10, $0x1;
	s10 =	sld [smem:$0x3FBB];
	_ =	sdelay $0x3  }
0x37: {  	[smem:$0x3FBB] =	sst s10  }
0x38: {  	s10 =	sld [smem:$0x3FBC]  }
0x39: {  	_ = 	snop;
	(pc) =	sbr.ind lr, $3  }
0x3a: {  	_ = 	snop  }
0x3b: {  	_ = 	snop  }
0x3c: {  	p2 =	seq.s32 s10, $0x1;
	s10 =	sld [smem:$0x3FBB]  }
0x3d: {  	_ =	shalt  }
0x3e: {  	_ =	shalt  }
0x3f: {  	_ =	shalt  }
0x40: {  	_ =	shalt  }
0x41: {  	_ =	shalt  }
0x42: {  	_ =	shalt  }
0x43: {  	_ =	shalt  }
0x44: {  	_ =	shalt  }
0x45: {  	_ =	shalt  }
0x46: {  	_ =	shalt  }
0x47: {  	_ =	shalt  }
0x48: {  	_ =	shalt  }
0x49: {  	_ =	shalt  }
0x4a: {  	_ =	shalt  }
0x4b: {  	_ =	shalt  }
0x4c: {  	_ =	shalt  }
0x4d: {  	_ =	shalt  }
0x4e: {  	_ =	shalt  }
0x4f: {  	_ =	shalt  }
0x50: {  	_ =	shalt  }
0x51: {  	_ =	shalt  }
0x52: {  	_ =	shalt  }
0x53: {  	_ =	shalt  }
0x54: {  	_ =	shalt  }
0x55: {  	_ =	shalt  }
0x56: {  	_ =	shalt  }
0x57: {  	_ =	shalt  }
0x58: {  	_ =	shalt  }
0x59: {  	_ =	shalt  }
0x5a: {  	_ =	shalt  }
0x5b: {  	_ =	shalt  }
0x5c: {  	_ =	shalt  }
0x5d: {  	_ =	shalt  }
0x5e: {  	_ =	shalt  }
0x5f: {  	_ =	shalt  }
0x60: {  	_ =	shalt  }
0x61: {  	_ =	shalt  }
0x62: {  	_ =	shalt  }
0x63: {  	_ =	shalt  }
0x64: {  	_ =	shalt  }
0x65: {  	_ =	shalt  }
0x66: {  	_ =	shalt  }
0x67: {  	_ =	shalt  }
0x68: {  	_ =	shalt  }
0x69: {  	_ =	shalt  }
0x6a: {  	_ =	shalt  }
0x6b: {  	_ =	shalt  }
0x6c: {  	_ =	shalt  }
0x6d: {  	_ =	shalt  }
0x6e: {  	_ =	shalt  }
0x6f: {  	_ =	shalt  }
0x70: {  	_ =	shalt  }
0x71: {  	_ =	shalt  }
0x72: {  	_ =	shalt  }
0x73: {  	_ =	shalt  }
0x74: {  	_ =	shalt  }
0x75: {  	_ =	shalt  }
0x76: {  	_ =	shalt  }
0x77: {  	_ =	shalt  }
0x78: {  	_ =	shalt  }
0x79: {  	_ =	shalt  }
0x7a: {  	_ =	shalt  }
0x7b: {  	_ =	shalt  }
0x7c: {  	_ =	shalt  }
0x7d: {  	_ =	shalt  }
0x7e: {  	_ =	shalt  }
0x7f: {  	_ =	shalt  }
0x80: {  	_ =	shalt  }
0x81: {  	_ =	shalt  }
0x82: {  	_ =	shalt  }
0x83: {  	_ =	shalt  }
0x84: {  	_ =	shalt  }
0x85: {  	_ =	shalt  }
0x86: {  	_ =	shalt  }
0x87: {  	_ =	shalt  }
.Lfunc_end0:
.L_simem_size_0:
called_computation_lowered:
.L_overlay_start_0:
0x88: {  	s2 =	sld [smem:$0x3FD9]  }
0x89: {  	s3 =	sld [smem:$0x3FFE];
	_ =	sdelay $0x1  }
0x8a: {  	s1 =	srdreg.scid  }
0x8b: {  	s0 =	sand.u32 $0x1, s1  }
0x8c: {  	s18 =	sshll.u32 s0, $0xA;
	s2 =	sadd.s32 s3, s2  }
0x8d: {  	s2 =	sadd.s32 s2, s18  }
0x8e: {  	[smem:$0x3FC7] =	sst s2  }
0x8f: {  	_ = 	snop  }
0x90: {  	s2 =	sld [smem:$0x3FC9]  }
0x91: {  	s19 =	sld [smem:$0x3FD0];
	(tm) =	ssettm $0x1  }
0x92: {  	s4 =	sld [smem:$0x3FFB];
	_ =	sdelay $0x3  }
0x93: {  	_ =	strace s4  }
0x94: {  	s4 =	sld [smem:$0x3FFC];
	_ =	sdelay $0x3  }
0x95: {  	_ =	strace s4  }
0x96: {  	s4 =	sld [smem:$0x3FFD];
	_ =	sdelay $0x3  }
0x97: {  	_ =	strace s4  }
0x98: {  	_ =	strace $0x8FFFFFFF  }
0x99: {  	s20 =	sld [smem:$0x3FDB];
	_ =	sdelay $0x1  }
0x9a: {  	s5 =	simm.s32 $_scs_section_size  }
0x9b: {  	s6 =	simm.s32 $_size__tile_overlayer_lowered;
	s7 =	simm.s32 $_tile_overlayer_lowered  }
0x9c: {  	s23 =	simm.s32 $0x1BFF;
	s22 =	sshll.u32 s7, $0x1;
	s4 =	sadd.s32 s5, s20  }
0x9d: {  	s8 =	simm.s32 $0x0;
	s21 =	sshll.u32 s6, $0x1;
	s6 =	sadd.s32 s22, s4  }
0x9e: {  	[timem:s8], [sflag:s23] =	dma.local [hbm:s6], s21  }
0x9f: {  	_ =	swait.ge [sflag:s23], s21  }
0xa0: {  	s5 =	ssub.s32 $0x0, s21;
	[sflag:s23] =	ssyncset.done $0x0  }
0xa1: {  	[sflag:s23] =	ssyncadd.s32 s5;
	_ =	sdelay $0x1  }
0xa2: {  	s24 =	simm.s32 $0x1B8B  }
0xa3: {  	_ =	swait.ge [sflag:s24], $0x1  }
0xa4: {  	[sflag:s24] =	ssyncset.done $0x0  }
0xa5: {  	s25 =	simm.s32 $0x1B8E;
	[sflag:s24] =	ssyncadd.s32 $0xFFFFFFFF  }
0xa6: {  	s26 =	simm.s32 $execute0_lowered;
	[smem:$0x3FD2] =	sst s25  }
0xa7: {  	s5 =	sshll.u32 s26, $0x1;
	_ =	strace $0x80000046;
	[dreg:$0x1] =	wrdreg $0xFFFFFFFF  }
0xa8: {  	s28 =	simm.s32 $_size_execute0_lowered;
	s4 =	sadd.s32 s4, s5;
	[dreg:$0x0] =	wrdreg $0x0  }
0xa9: {  	s5 =	sshll.u32 s28, $0x1;
	[dreg:$0x2] =	wrdreg s4  }
0xaa: {  	[dreg:$0x3] =	wrdreg s5  }
0xab: {  	[dreg:$0x4] =	wrdreg $0xC0  }
0xac: {  	_ =	task [dreg:s8], $0x5FFFF  }
0xad: {  	[dreg:$0x1] =	wrdreg $0xFFFFFFFF  }
0xae: {  	[dreg:$0x0] =	wrdreg $0x60  }
0xaf: {  	[dreg:$0x2] =	wrdreg s2  }
0xb0: {  	[dreg:$0x3] =	wrdreg s19  }
0xb1: {  	[dreg:$0x4] =	wrdreg $0x9  }
0xb2: {  	_ =	task.clear_ibuf [dreg:s8], $0x5FFFF;
	_ =	strace $0x90000046  }
0xb3: {  	s29 =	simm.s32 $0x9;
	_ =	strace $0x80000048  }
0xb4: {  	_ =	swait.ge [sflag:s29], $0x1  }
0xb5: {  	[sflag:s29] =	ssyncadd.s32 $0xFFFFFFFF  }
0xb6: {  	_ =	strace $0x90000048  }
0xb7: {  	_ =	sfence  }
0xb8: {  	s30 =	sld [smem:$0x0];
	_ =	sdelay $0x2  }
0xb9: {  	s31 =	sshll.u32 s1, $0xD;
	s1 =	sshrl.u32 s1, $0x2  }
0xba: {  	s3 =	sand.u32 $0x4000, s31;
	s1 =	sadd.s32 s1, s30  }
0xbb: {  	s0 =	sor.u32 s3, s0;
	s1 =	sshll.u32 s1, $0x11  }
0xbc: {  	s0 =	sor.u32 s1, s0  }
0xbd: {  	s0 =	sadd.s32 $0x8F2B, s0  }
0xbe: {  	[sflag:s0] =	ssyncadd.remote.s32 $0x1  }
0xbf: {  	_ =	sfence.sel $0xFFFF  }
0xc0: {  	[dreg:$0x0] =	wrdreg $0xFFFFFFFF;
	(pc) =	sbr.abs _section_cstart, $3  }
0xc1: {  	[dreg:$0x1] =	wrdreg $0xFFFFFFFF  }
0xc2: {  	_ =	task.clear_ibuf [dreg:s8], $0x2FFFF;
	_ =	strace $0x9FFFFFFF  }
0xc3: {  	(tm) =	ssettm $0x7FFFFFFF  }
tec
execute0_lowered:
.L_overlay_start_1:
0x0: {  	(tag) =	ssettag $0x1  }
0x1: {  	s0 =	rddreg [dreg:$0x0]  }
0x2: {  	s1 =	rddreg [dreg:$0x1];
	s3 =	srdreg.scid;
	s2 =	simm.s32 $0x0  }
0x3: {  	s5 =	stileid.u32;
	s16 =	simm.s32 $0x400;
	s17 =	simm.s32 $0x20000  }
0x4: {  	s18 =	simm.s32 $0xC00;
	s19 =	simm.s32 $0x1000;
	s20 =	simm.s32 $0x1C00  }
0x5: {  	s21 =	simm.s32 $0x2000;
	s22 =	simm.s32 $0x2C00;
	s23 =	simm.s32 $0x3000  }
0x6: {  	s24 =	simm.s32 $0x3C00;
	s25 =	simm.s32 $0x1;
	s28 =	simm.s32 $0x3  }
0x7: {  	s29 =	simm.s32 $0x4;
	s30 =	simm.s32 $0x5;
	s3 =	sand.u32 $0x1, s3  }
0x8: {  	s31 =	simm.s32 $0x0;
	s5 =	sshll.u32 s5, $0xA;
	s4 =	ssub.s32 $0x2, s3  }
0x9: {  	[smem:$0x7FF] =	sst s2;
	s3 =	sshll.u32 s3, $0x9;
	s6 =	sshrl.u32 s4, $0x1  }
0xa: {  	_ =	strace $0x80000047;
	s11 =	sor.u32 s3, s5;
	s4 =	ssub.s32 s4, s6  }
0xb: {  	s3 =	sadd.s32 s0, s11;
	s12 =	sor.u32 $0x80, s11;
	s13 =	sor.u32 $0x100, s11  }
0xc: {  	s14 =	sor.u32 $0x180, s11;
	s11 =	sadd.s32 s1, s11;
	s26 =	sadd.s32 $0xC000, s3  }
0xd: {  	s5 =	sadd.s32 s0, s12;
	s6 =	sadd.s32 s0, s13;
	s9 =	sadd.s32 s0, s14  }
0xe: {  	s12 =	sadd.s32 s1, s12;
	s13 =	sadd.s32 s1, s13;
	s14 =	sadd.s32 s1, s14  }
0xf: {  	s15 =	smax.u32 s4, $0x1;
	[dreg:$0x3] =	wrdreg s26;
	s7 =	sadd.s32 $0xC000, s5  }
0x10: {  	s8 =	sadd.s32 $0xC000, s6;
	s10 =	sadd.s32 $0xC000, s9;
	s26 =	simm.s32 $0x2  }
.LBB2_1:
0x11: {  	[tilespmem:s2], [sflag:$0x1] =	stream.strided.gather [hbm4b:s3+s16], $0xC00, s17, s16, $0x38;
	[tilespmem:$0x4000] =	vst v63  }
0x12: {  	s0 =	rddreg [dreg:$0x3]  }
0x13: {  	[tilespmem:s18], [sflag:$0x1] =	stream.linear.gather [hbm4b:s0+s2], $0x100, $0x38;
	[tilespmem:$0x4000] =	vst v63  }
0x14: {  	_ = 	snop  }
0x15: {  	[tilespmem:s19], [sflag:$0x2] =	stream.strided.gather [hbm4b:s5+s16], $0xC00, s17, s16, $0x38;
	[tilespmem:$0x4000] =	vst v63  }
0x16: {  	_ = 	snop  }
0x17: {  	[tilespmem:s20], [sflag:$0x2] =	stream.linear.gather [hbm4b:s7+s2], $0x100, $0x38;
	[tilespmem:$0x4000] =	vst v63  }
0x18: {  	_ = 	snop  }
0x19: {  	[tilespmem:s21], [sflag:$0x3] =	stream.strided.gather [hbm4b:s6+s16], $0xC00, s17, s16, $0x38;
	[tilespmem:$0x4000] =	vst v63  }
0x1a: {  	_ = 	snop  }
0x1b: {  	[tilespmem:s22], [sflag:$0x3] =	stream.linear.gather [hbm4b:s8+s2], $0x100, $0x38;
	[tilespmem:$0x4000] =	vst v63  }
0x1c: {  	_ = 	snop  }
0x1d: {  	[tilespmem:s23], [sflag:$0x4] =	stream.strided.gather [hbm4b:s9+s16], $0xC00, s17, s16, $0x38;
	[tilespmem:$0x4000] =	vst v63  }
0x1e: {  	_ = 	snop  }
0x1f: {  	[tilespmem:s24], [sflag:$0x4] =	stream.linear.gather [hbm4b:s10+s2], $0x100, $0x38;
	[tilespmem:$0x4000] =	vst v63  }
0x20: {  	_ =	swait.ge [sflag:s25], $0xD00  }
0x21: {  	[sflag:s25] =	ssyncset.done $0x0  }
0x22: {  	s0 =	simm.s32 $0x80;
	[sflag:s25] =	ssyncadd.s32 $0xFFFFF300  }
0x23: {  	v0 =	vld [tilespmem:s0+$0x70]  }
0x24: {  	v1 =	vld [tilespmem:s0+$0xFFFFFF90]  }
0x25: {  	v2 =	vld [tilespmem:s0+$0xFFFFFFA0]  }
0x26: {  	v3 =	vld [tilespmem:s0+$0xFFFFFFB0]  }
0x27: {  	v4 =	vld [tilespmem:s0+$0xFFFFFFC0]  }
0x28: {  	v5 =	vld [tilespmem:s0+$0xFFFFFFD0];
	v0 =	vadd.s32 $0x1, v0  }
0x29: {  	v6 =	vld [tilespmem:s0+$0xFFFFFFE0];
	v1 =	vadd.s32 $0x1, v1;
	vm0 =	vlt.u32 v0, $0x16  }
0x2a: {  	v7 =	vld [tilespmem:s0+$0xFFFFFFF0];
	v2 =	vadd.s32 $0x1, v2;
	vm1 =	vlt.u32 v1, $0x16;
	v0 =	vnsel vm0, $0x1, v0  }
0x2b: {  	v8 =	vld [tilespmem:s0+$0x0];
	v3 =	vadd.s32 $0x1, v3;
	v1 =	vnsel vm1, $0x1, v1;
	vm0 =	vlt.u32 v2, $0x16;
	[tilespmem:s0+$0x70] =	vst v0  }
0x2c: {  	[tilespmem:s0+$0xFFFFFF90] =	vst v1;
	v0 =	vnsel vm0, $0x1, v2;
	vm0 =	vlt.u32 v3, $0x16;
	v1 =	vadd.s32 $0x1, v4;
	v4 =	vld [tilespmem:s0+$0x10]  }
0x2d: {  	v9 =	vld [tilespmem:s0+$0x20];
	v2 =	vadd.s32 $0x1, v5;
	[tilespmem:s0+$0xFFFFFFA0] =	vst v0;
	v0 =	vnsel vm0, $0x1, v3;
	vm0 =	vlt.u32 v1, $0x16  }
0x2e: {  	v3 =	vadd.s32 $0x1, v6;
	[tilespmem:s0+$0xFFFFFFB0] =	vst v0;
	v1 =	vnsel vm0, $0x1, v1;
	vm0 =	vlt.u32 v2, $0x16;
	v0 =	vld [tilespmem:s0+$0x30]  }
0x2f: {  	v5 =	vadd.s32 $0x1, v7;
	[tilespmem:s0+$0xFFFFFFC0] =	vst v1;
	v2 =	vnsel vm0, $0x1, v2;
	vm0 =	vlt.u32 v3, $0x16;
	v1 =	vld [tilespmem:s0+$0x40]  }
0x30: {  	v6 =	vadd.s32 $0x1, v8;
	[tilespmem:s0+$0xFFFFFFD0] =	vst v2;
	v3 =	vnsel vm0, $0x1, v3;
	vm0 =	vlt.u32 v5, $0x16;
	v2 =	vld [tilespmem:s0+$0x50]  }
0x31: {  	[tilespmem:s0+$0xFFFFFFE0] =	vst v3;
	v7 =	vnsel vm0, $0x1, v5;
	vm0 =	vlt.u32 v6, $0x16;
	v5 =	vadd.s32 $0x1, v4;
	v3 =	vld [tilespmem:s0+$0x60]  }
0x32: {  	s1 =	simm.s32 $0x0;
	s4 =	simm.s32 $0x180;
	v4 =	vld [tilespmem:s0+$0xFFFFFF80];
	[tilespmem:s0+$0xFFFFFFF0] =	vst v7;
	v7 =	vnsel vm0, $0x1, v6;
	vm0 =	vlt.u32 v5, $0x16;
	v6 =	vadd.s32 $0x1, v9  }
.LBB2_2:
0x33: {  	v8 =	vld [tilespmem:s4+$0x70];
	s1 =	sadd.s32 $0x100, s1;
	[tilespmem:s0+$0x0] =	vst v7;
	v5 =	vnsel vm0, $0x1, v5;
	vm0 =	vlt.u32 v6, $0x16;
	v0 =	vadd.s32 $0x1, v0  }
0x34: {  	v7 =	vld [tilespmem:s4+$0xFFFFFF90];
	p0 =	slt.u32 s1, $0xC00;
	[tilespmem:s0+$0x10] =	vst v5;
	v5 =	vnsel vm0, $0x1, v6;
	vm0 =	vlt.u32 v0, $0x16;
	v1 =	vadd.s32 $0x1, v1  }
0x35: {  	v6 =	vld [tilespmem:s4+$0xFFFFFFA0];
	[tilespmem:s0+$0x20] =	vst v5;
	v0 =	vnsel vm0, $0x1, v0;
	vm0 =	vlt.u32 v1, $0x16;
	v2 =	vadd.s32 $0x1, v2  }
0x36: {  	v5 =	vld [tilespmem:s4+$0xFFFFFFB0];
	[tilespmem:s0+$0x30] =	vst v0;
	v0 =	vnsel vm0, $0x1, v1;
	vm0 =	vlt.u32 v2, $0x16;
	v1 =	vadd.s32 $0x1, v3  }
0x37: {  	v3 =	vld [tilespmem:s4+$0xFFFFFFC0];
	v4 =	vadd.s32 $0x1, v4;
	[tilespmem:s0+$0x40] =	vst v0;
	v0 =	vnsel vm0, $0x1, v2;
	vm0 =	vlt.u32 v1, $0x16  }
0x38: {  	v2 =	vld [tilespmem:s4+$0xFFFFFFD0];
	v8 =	vadd.s32 $0x1, v8;
	vm1 =	vlt.u32 v4, $0x16;
	[tilespmem:s0+$0x50] =	vst v0;
	v0 =	vnsel vm0, $0x1, v1  }
0x39: {  	v1 =	vadd.s32 $0x1, v7;
	v7 =	vld [tilespmem:s4+$0xFFFFFFE0];
	vm0 =	vlt.u32 v8, $0x16;
	v4 =	vnsel vm1, $0x1, v4;
	[tilespmem:s0+$0x60] =	vst v0  }
0x3a: {  	vm1 =	vlt.u32 v1, $0x16;
	v0 =	vadd.s32 $0x1, v6;
	v6 =	vld [tilespmem:s4+$0xFFFFFFF0];
	v8 =	vnsel vm0, $0x1, v8;
	[tilespmem:s0+$0xFFFFFF80] =	vst v4;
	s0 =	smov.u32 s4  }
0x3b: {  	v1 =	vnsel vm1, $0x1, v1;
	vm0 =	vlt.u32 v0, $0x16;
	v4 =	vadd.s32 $0x1, v5;
	v5 =	vld [tilespmem:s4+$0x0];
	[tilespmem:s4+$0x70] =	vst v8  }
0x3c: {  	[tilespmem:s4+$0xFFFFFF90] =	vst v1;
	v0 =	vnsel vm0, $0x1, v0;
	vm0 =	vlt.u32 v4, $0x16;
	v1 =	vadd.s32 $0x1, v3;
	v3 =	vld [tilespmem:s4+$0x10]  }
0x3d: {  	[tilespmem:s4+$0xFFFFFFA0] =	vst v0;
	v0 =	vnsel vm0, $0x1, v4;
	vm0 =	vlt.u32 v1, $0x16;
	v2 =	vadd.s32 $0x1, v2;
	v8 =	vld [tilespmem:s4+$0x20]  }
.Ltmp0:
0x3e: {  	[tilespmem:s4+$0xFFFFFFB0] =	vst v0;
	v1 =	vnsel vm0, $0x1, v1;
	vm0 =	vlt.u32 v2, $0x16;
	v4 =	vadd.s32 $0x1, v7;
	v0 =	vld [tilespmem:s4+$0x30];
	(pc) =	sbr.rel @p0 .LBB2_2-.Ltmp0, $4  }
0x3f: {  	[tilespmem:s4+$0xFFFFFFC0] =	vst v1;
	v2 =	vnsel vm0, $0x1, v2;
	vm0 =	vlt.u32 v4, $0x16;
	v6 =	vadd.s32 $0x1, v6;
	v1 =	vld [tilespmem:s4+$0x40]  }
0x40: {  	[tilespmem:s4+$0xFFFFFFD0] =	vst v2;
	v4 =	vnsel vm0, $0x1, v4;
	vm0 =	vlt.u32 v6, $0x16;
	v7 =	vadd.s32 $0x1, v5;
	v2 =	vld [tilespmem:s4+$0x50]  }
0x41: {  	[tilespmem:s4+$0xFFFFFFE0] =	vst v4;
	v6 =	vnsel vm0, $0x1, v6;
	vm0 =	vlt.u32 v7, $0x16;
	v5 =	vadd.s32 $0x1, v3;
	v3 =	vld [tilespmem:s4+$0x60]  }
0x42: {  	s4 =	sadd.s32 $0x100, s4;
	v4 =	vld [tilespmem:s0+$0xFFFFFF80];
	[tilespmem:s0+$0xFFFFFFF0] =	vst v6;
	v7 =	vnsel vm0, $0x1, v7;
	vm0 =	vlt.u32 v5, $0x16;
	v6 =	vadd.s32 $0x1, v8  }
0x43: {  	[tilespmem:s0+$0x0] =	vst v7;
	v5 =	vnsel vm0, $0x1, v5;
	vm0 =	vlt.u32 v6, $0x16;
	v0 =	vadd.s32 $0x1, v0  }
0x44: {  	[tilespmem:s0+$0x10] =	vst v5;
	v5 =	vnsel vm0, $0x1, v6;
	vm0 =	vlt.u32 v0, $0x16;
	v1 =	vadd.s32 $0x1, v1  }
0x45: {  	[tilespmem:s0+$0x20] =	vst v5;
	v0 =	vnsel vm0, $0x1, v0;
	vm0 =	vlt.u32 v1, $0x16;
	v2 =	vadd.s32 $0x1, v2  }
0x46: {  	[tilespmem:s0+$0x30] =	vst v0;
	v0 =	vnsel vm0, $0x1, v1;
	vm0 =	vlt.u32 v2, $0x16;
	v1 =	vadd.s32 $0x1, v3  }
0x47: {  	v3 =	vadd.s32 $0x1, v4;
	[tilespmem:s0+$0x40] =	vst v0;
	v0 =	vnsel vm0, $0x1, v2;
	vm0 =	vlt.u32 v1, $0x16  }
0x48: {  	vm1 =	vlt.u32 v3, $0x16;
	[tilespmem:s0+$0x50] =	vst v0;
	v0 =	vnsel vm0, $0x1, v1  }
0x49: {  	v1 =	vnsel vm1, $0x1, v3;
	[tilespmem:s0+$0x60] =	vst v0  }
0x4a: {  	[tilespmem:s0+$0xFFFFFF80] =	vst v1  }
0x4b: {  	[hbm4b:s11+s16] =	stream.strided.scatter [tilespmem:s2], [sflag:$0x5], $0xC00, s17, s16, $0x38;
	[tilespmem:$0x4000] =	vst v63  }
0x4c: {  	s4 =	sadd.s32 $0xC000, s11  }
0x4d: {  	[hbm4b:s4+s2] =	stream.linear.scatter [tilespmem:s18], [sflag:$0x5], $0x100, $0x38;
	[tilespmem:$0x4000] =	vst v63  }
0x4e: {  	_ =	swait.ge [sflag:s26], $0xD00  }
0x4f: {  	[sflag:s26] =	ssyncset.done $0x0  }
0x50: {  	s0 =	simm.s32 $0x1080;
	[sflag:s26] =	ssyncadd.s32 $0xFFFFF300  }
0x51: {  	v0 =	vld [tilespmem:s0+$0x70]  }
0x52: {  	v1 =	vld [tilespmem:s0+$0xFFFFFF90]  }
0x53: {  	v2 =	vld [tilespmem:s0+$0xFFFFFFA0]  }
0x54: {  	v3 =	vld [tilespmem:s0+$0xFFFFFFB0]  }
0x55: {  	v4 =	vld [tilespmem:s0+$0xFFFFFFC0]  }
0x56: {  	v5 =	vld [tilespmem:s0+$0xFFFFFFD0];
	v0 =	vadd.s32 $0x1, v0  }
0x57: {  	v6 =	vld [tilespmem:s0+$0xFFFFFFE0];
	v1 =	vadd.s32 $0x1, v1;
	vm0 =	vlt.u32 v0, $0x16  }
0x58: {  	v7 =	vld [tilespmem:s0+$0xFFFFFFF0];
	v2 =	vadd.s32 $0x1, v2;
	vm1 =	vlt.u32 v1, $0x16;
	v0 =	vnsel vm0, $0x1, v0  }
0x59: {  	v8 =	vld [tilespmem:s0+$0x0];
	v3 =	vadd.s32 $0x1, v3;
	v1 =	vnsel vm1, $0x1, v1;
	vm0 =	vlt.u32 v2, $0x16;
	[tilespmem:s0+$0x70] =	vst v0  }
0x5a: {  	[tilespmem:s0+$0xFFFFFF90] =	vst v1;
	v0 =	vnsel vm0, $0x1, v2;
	vm0 =	vlt.u32 v3, $0x16;
	v1 =	vadd.s32 $0x1, v4;
	v4 =	vld [tilespmem:s0+$0x10]  }
0x5b: {  	v9 =	vld [tilespmem:s0+$0x20];
	v2 =	vadd.s32 $0x1, v5;
	[tilespmem:s0+$0xFFFFFFA0] =	vst v0;
	v0 =	vnsel vm0, $0x1, v3;
	vm0 =	vlt.u32 v1, $0x16  }
0x5c: {  	v3 =	vadd.s32 $0x1, v6;
	[tilespmem:s0+$0xFFFFFFB0] =	vst v0;
	v1 =	vnsel vm0, $0x1, v1;
	vm0 =	vlt.u32 v2, $0x16;
	v0 =	vld [tilespmem:s0+$0x30]  }
0x5d: {  	v5 =	vadd.s32 $0x1, v7;
	[tilespmem:s0+$0xFFFFFFC0] =	vst v1;
	v2 =	vnsel vm0, $0x1, v2;
	vm0 =	vlt.u32 v3, $0x16;
	v1 =	vld [tilespmem:s0+$0x40]  }
0x5e: {  	v6 =	vadd.s32 $0x1, v8;
	[tilespmem:s0+$0xFFFFFFD0] =	vst v2;
	v3 =	vnsel vm0, $0x1, v3;
	vm0 =	vlt.u32 v5, $0x16;
	v2 =	vld [tilespmem:s0+$0x50]  }
0x5f: {  	[tilespmem:s0+$0xFFFFFFE0] =	vst v3;
	v7 =	vnsel vm0, $0x1, v5;
	vm0 =	vlt.u32 v6, $0x16;
	v5 =	vadd.s32 $0x1, v4;
	v3 =	vld [tilespmem:s0+$0x60]  }
0x60: {  	s1 =	simm.s32 $0x0;
	s4 =	simm.s32 $0x1180;
	v4 =	vld [tilespmem:s0+$0xFFFFFF80];
	[tilespmem:s0+$0xFFFFFFF0] =	vst v7;
	v7 =	vnsel vm0, $0x1, v6;
	vm0 =	vlt.u32 v5, $0x16;
	v6 =	vadd.s32 $0x1, v9  }
.LBB2_4:
0x61: {  	v8 =	vld [tilespmem:s4+$0x70];
	s1 =	sadd.s32 $0x100, s1;
	[tilespmem:s0+$0x0] =	vst v7;
	v5 =	vnsel vm0, $0x1, v5;
	vm0 =	vlt.u32 v6, $0x16;
	v0 =	vadd.s32 $0x1, v0  }
0x62: {  	v7 =	vld [tilespmem:s4+$0xFFFFFF90];
	p0 =	slt.u32 s1, $0xC00;
	[tilespmem:s0+$0x10] =	vst v5;
	v5 =	vnsel vm0, $0x1, v6;
	vm0 =	vlt.u32 v0, $0x16;
	v1 =	vadd.s32 $0x1, v1  }
0x63: {  	v6 =	vld [tilespmem:s4+$0xFFFFFFA0];
	[tilespmem:s0+$0x20] =	vst v5;
	v0 =	vnsel vm0, $0x1, v0;
	vm0 =	vlt.u32 v1, $0x16;
	v2 =	vadd.s32 $0x1, v2  }
0x64: {  	v5 =	vld [tilespmem:s4+$0xFFFFFFB0];
	[tilespmem:s0+$0x30] =	vst v0;
	v0 =	vnsel vm0, $0x1, v1;
	vm0 =	vlt.u32 v2, $0x16;
	v1 =	vadd.s32 $0x1, v3  }
0x65: {  	v3 =	vld [tilespmem:s4+$0xFFFFFFC0];
	v4 =	vadd.s32 $0x1, v4;
	[tilespmem:s0+$0x40] =	vst v0;
	v0 =	vnsel vm0, $0x1, v2;
	vm0 =	vlt.u32 v1, $0x16  }
0x66: {  	v2 =	vld [tilespmem:s4+$0xFFFFFFD0];
	v8 =	vadd.s32 $0x1, v8;
	vm1 =	vlt.u32 v4, $0x16;
	[tilespmem:s0+$0x50] =	vst v0;
	v0 =	vnsel vm0, $0x1, v1  }
0x67: {  	v1 =	vadd.s32 $0x1, v7;
	v7 =	vld [tilespmem:s4+$0xFFFFFFE0];
	vm0 =	vlt.u32 v8, $0x16;
	v4 =	vnsel vm1, $0x1, v4;
	[tilespmem:s0+$0x60] =	vst v0  }
0x68: {  	vm1 =	vlt.u32 v1, $0x16;
	v0 =	vadd.s32 $0x1, v6;
	v6 =	vld [tilespmem:s4+$0xFFFFFFF0];
	v8 =	vnsel vm0, $0x1, v8;
	[tilespmem:s0+$0xFFFFFF80] =	vst v4;
	s0 =	smov.u32 s4  }
0x69: {  	v1 =	vnsel vm1, $0x1, v1;
	vm0 =	vlt.u32 v0, $0x16;
	v4 =	vadd.s32 $0x1, v5;
	v5 =	vld [tilespmem:s4+$0x0];
	[tilespmem:s4+$0x70] =	vst v8  }
0x6a: {  	[tilespmem:s4+$0xFFFFFF90] =	vst v1;
	v0 =	vnsel vm0, $0x1, v0;
	vm0 =	vlt.u32 v4, $0x16;
	v1 =	vadd.s32 $0x1, v3;
	v3 =	vld [tilespmem:s4+$0x10]  }
0x6b: {  	[tilespmem:s4+$0xFFFFFFA0] =	vst v0;
	v0 =	vnsel vm0, $0x1, v4;
	vm0 =	vlt.u32 v1, $0x16;
	v2 =	vadd.s32 $0x1, v2;
	v8 =	vld [tilespmem:s4+$0x20]  }
.Ltmp1:
0x6c: {  	[tilespmem:s4+$0xFFFFFFB0] =	vst v0;
	v1 =	vnsel vm0, $0x1, v1;
	vm0 =	vlt.u32 v2, $0x16;
	v4 =	vadd.s32 $0x1, v7;
	v0 =	vld [tilespmem:s4+$0x30];
	(pc) =	sbr.rel @p0 .LBB2_4-.Ltmp1, $4  }
0x6d: {  	[tilespmem:s4+$0xFFFFFFC0] =	vst v1;
	v2 =	vnsel vm0, $0x1, v2;
	vm0 =	vlt.u32 v4, $0x16;
	v6 =	vadd.s32 $0x1, v6;
	v1 =	vld [tilespmem:s4+$0x40]  }
0x6e: {  	[tilespmem:s4+$0xFFFFFFD0] =	vst v2;
	v4 =	vnsel vm0, $0x1, v4;
	vm0 =	vlt.u32 v6, $0x16;
	v7 =	vadd.s32 $0x1, v5;
	v2 =	vld [tilespmem:s4+$0x50]  }
0x6f: {  	[tilespmem:s4+$0xFFFFFFE0] =	vst v4;
	v6 =	vnsel vm0, $0x1, v6;
	vm0 =	vlt.u32 v7, $0x16;
	v5 =	vadd.s32 $0x1, v3;
	v3 =	vld [tilespmem:s4+$0x60]  }
0x70: {  	s4 =	sadd.s32 $0x100, s4;
	v4 =	vld [tilespmem:s0+$0xFFFFFF80];
	[tilespmem:s0+$0xFFFFFFF0] =	vst v6;
	v7 =	vnsel vm0, $0x1, v7;
	vm0 =	vlt.u32 v5, $0x16;
	v6 =	vadd.s32 $0x1, v8  }
0x71: {  	[tilespmem:s0+$0x0] =	vst v7;
	v5 =	vnsel vm0, $0x1, v5;
	vm0 =	vlt.u32 v6, $0x16;
	v0 =	vadd.s32 $0x1, v0  }
0x72: {  	[tilespmem:s0+$0x10] =	vst v5;
	v5 =	vnsel vm0, $0x1, v6;
	vm0 =	vlt.u32 v0, $0x16;
	v1 =	vadd.s32 $0x1, v1  }
0x73: {  	[tilespmem:s0+$0x20] =	vst v5;
	v0 =	vnsel vm0, $0x1, v0;
	vm0 =	vlt.u32 v1, $0x16;
	v2 =	vadd.s32 $0x1, v2  }
0x74: {  	[tilespmem:s0+$0x30] =	vst v0;
	v0 =	vnsel vm0, $0x1, v1;
	vm0 =	vlt.u32 v2, $0x16;
	v1 =	vadd.s32 $0x1, v3  }
0x75: {  	v3 =	vadd.s32 $0x1, v4;
	[tilespmem:s0+$0x40] =	vst v0;
	v0 =	vnsel vm0, $0x1, v2;
	vm0 =	vlt.u32 v1, $0x16  }
0x76: {  	vm1 =	vlt.u32 v3, $0x16;
	[tilespmem:s0+$0x50] =	vst v0;
	v0 =	vnsel vm0, $0x1, v1  }
0x77: {  	v1 =	vnsel vm1, $0x1, v3;
	[tilespmem:s0+$0x60] =	vst v0  }
0x78: {  	[tilespmem:s0+$0xFFFFFF80] =	vst v1  }
0x79: {  	[hbm4b:s12+s16] =	stream.strided.scatter [tilespmem:s19], [sflag:$0x5], $0xC00, s17, s16, $0x38;
	[tilespmem:$0x4000] =	vst v63  }
0x7a: {  	s4 =	sadd.s32 $0xC000, s12  }
0x7b: {  	[hbm4b:s4+s2] =	stream.linear.scatter [tilespmem:s20], [sflag:$0x5], $0x100, $0x38;
	[tilespmem:$0x4000] =	vst v63  }
0x7c: {  	_ =	swait.ge [sflag:s28], $0xD00  }
0x7d: {  	[sflag:s28] =	ssyncset.done $0x0  }
0x7e: {  	s0 =	simm.s32 $0x2080;
	[sflag:s28] =	ssyncadd.s32 $0xFFFFF300  }
0x7f: {  	v0 =	vld [tilespmem:s0+$0x70]  }
0x80: {  	v1 =	vld [tilespmem:s0+$0xFFFFFF90]  }
0x81: {  	v2 =	vld [tilespmem:s0+$0xFFFFFFA0]  }
0x82: {  	v3 =	vld [tilespmem:s0+$0xFFFFFFB0]  }
0x83: {  	v4 =	vld [tilespmem:s0+$0xFFFFFFC0]  }
0x84: {  	v5 =	vld [tilespmem:s0+$0xFFFFFFD0];
	v0 =	vadd.s32 $0x1, v0  }
0x85: {  	v6 =	vld [tilespmem:s0+$0xFFFFFFE0];
	v1 =	vadd.s32 $0x1, v1;
	vm0 =	vlt.u32 v0, $0x16  }
0x86: {  	v7 =	vld [tilespmem:s0+$0xFFFFFFF0];
	v2 =	vadd.s32 $0x1, v2;
	vm1 =	vlt.u32 v1, $0x16;
	v0 =	vnsel vm0, $0x1, v0  }
0x87: {  	v8 =	vld [tilespmem:s0+$0x0];
	v3 =	vadd.s32 $0x1, v3;
	v1 =	vnsel vm1, $0x1, v1;
	vm0 =	vlt.u32 v2, $0x16;
	[tilespmem:s0+$0x70] =	vst v0  }
0x88: {  	[tilespmem:s0+$0xFFFFFF90] =	vst v1;
	v0 =	vnsel vm0, $0x1, v2;
	vm0 =	vlt.u32 v3, $0x16;
	v1 =	vadd.s32 $0x1, v4;
	v4 =	vld [tilespmem:s0+$0x10]  }
0x89: {  	v9 =	vld [tilespmem:s0+$0x20];
	v2 =	vadd.s32 $0x1, v5;
	[tilespmem:s0+$0xFFFFFFA0] =	vst v0;
	v0 =	vnsel vm0, $0x1, v3;
	vm0 =	vlt.u32 v1, $0x16  }
0x8a: {  	v3 =	vadd.s32 $0x1, v6;
	[tilespmem:s0+$0xFFFFFFB0] =	vst v0;
	v1 =	vnsel vm0, $0x1, v1;
	vm0 =	vlt.u32 v2, $0x16;
	v0 =	vld [tilespmem:s0+$0x30]  }
0x8b: {  	v5 =	vadd.s32 $0x1, v7;
	[tilespmem:s0+$0xFFFFFFC0] =	vst v1;
	v2 =	vnsel vm0, $0x1, v2;
	vm0 =	vlt.u32 v3, $0x16;
	v1 =	vld [tilespmem:s0+$0x40]  }
0x8c: {  	v6 =	vadd.s32 $0x1, v8;
	[tilespmem:s0+$0xFFFFFFD0] =	vst v2;
	v3 =	vnsel vm0, $0x1, v3;
	vm0 =	vlt.u32 v5, $0x16;
	v2 =	vld [tilespmem:s0+$0x50]  }
0x8d: {  	[tilespmem:s0+$0xFFFFFFE0] =	vst v3;
	v7 =	vnsel vm0, $0x1, v5;
	vm0 =	vlt.u32 v6, $0x16;
	v5 =	vadd.s32 $0x1, v4;
	v3 =	vld [tilespmem:s0+$0x60]  }
0x8e: {  	s1 =	simm.s32 $0x0;
	s4 =	simm.s32 $0x2180;
	v4 =	vld [tilespmem:s0+$0xFFFFFF80];
	[tilespmem:s0+$0xFFFFFFF0] =	vst v7;
	v7 =	vnsel vm0, $0x1, v6;
	vm0 =	vlt.u32 v5, $0x16;
	v6 =	vadd.s32 $0x1, v9  }
.LBB2_6:
0x8f: {  	v8 =	vld [tilespmem:s4+$0x70];
	s1 =	sadd.s32 $0x100, s1;
	[tilespmem:s0+$0x0] =	vst v7;
	v5 =	vnsel vm0, $0x1, v5;
	vm0 =	vlt.u32 v6, $0x16;
	v0 =	vadd.s32 $0x1, v0  }
0x90: {  	v7 =	vld [tilespmem:s4+$0xFFFFFF90];
	p0 =	slt.u32 s1, $0xC00;
	[tilespmem:s0+$0x10] =	vst v5;
	v5 =	vnsel vm0, $0x1, v6;
	vm0 =	vlt.u32 v0, $0x16;
	v1 =	vadd.s32 $0x1, v1  }
0x91: {  	v6 =	vld [tilespmem:s4+$0xFFFFFFA0];
	[tilespmem:s0+$0x20] =	vst v5;
	v0 =	vnsel vm0, $0x1, v0;
	vm0 =	vlt.u32 v1, $0x16;
	v2 =	vadd.s32 $0x1, v2  }
0x92: {  	v5 =	vld [tilespmem:s4+$0xFFFFFFB0];
	[tilespmem:s0+$0x30] =	vst v0;
	v0 =	vnsel vm0, $0x1, v1;
	vm0 =	vlt.u32 v2, $0x16;
	v1 =	vadd.s32 $0x1, v3  }
0x93: {  	v3 =	vld [tilespmem:s4+$0xFFFFFFC0];
	v4 =	vadd.s32 $0x1, v4;
	[tilespmem:s0+$0x40] =	vst v0;
	v0 =	vnsel vm0, $0x1, v2;
	vm0 =	vlt.u32 v1, $0x16  }
0x94: {  	v2 =	vld [tilespmem:s4+$0xFFFFFFD0];
	v8 =	vadd.s32 $0x1, v8;
	vm1 =	vlt.u32 v4, $0x16;
	[tilespmem:s0+$0x50] =	vst v0;
	v0 =	vnsel vm0, $0x1, v1  }
0x95: {  	v1 =	vadd.s32 $0x1, v7;
	v7 =	vld [tilespmem:s4+$0xFFFFFFE0];
	vm0 =	vlt.u32 v8, $0x16;
	v4 =	vnsel vm1, $0x1, v4;
	[tilespmem:s0+$0x60] =	vst v0  }
0x96: {  	vm1 =	vlt.u32 v1, $0x16;
	v0 =	vadd.s32 $0x1, v6;
	v6 =	vld [tilespmem:s4+$0xFFFFFFF0];
	v8 =	vnsel vm0, $0x1, v8;
	[tilespmem:s0+$0xFFFFFF80] =	vst v4;
	s0 =	smov.u32 s4  }
0x97: {  	v1 =	vnsel vm1, $0x1, v1;
	vm0 =	vlt.u32 v0, $0x16;
	v4 =	vadd.s32 $0x1, v5;
	v5 =	vld [tilespmem:s4+$0x0];
	[tilespmem:s4+$0x70] =	vst v8  }
0x98: {  	[tilespmem:s4+$0xFFFFFF90] =	vst v1;
	v0 =	vnsel vm0, $0x1, v0;
	vm0 =	vlt.u32 v4, $0x16;
	v1 =	vadd.s32 $0x1, v3;
	v3 =	vld [tilespmem:s4+$0x10]  }
0x99: {  	[tilespmem:s4+$0xFFFFFFA0] =	vst v0;
	v0 =	vnsel vm0, $0x1, v4;
	vm0 =	vlt.u32 v1, $0x16;
	v2 =	vadd.s32 $0x1, v2;
	v8 =	vld [tilespmem:s4+$0x20]  }
.Ltmp2:
0x9a: {  	[tilespmem:s4+$0xFFFFFFB0] =	vst v0;
	v1 =	vnsel vm0, $0x1, v1;
	vm0 =	vlt.u32 v2, $0x16;
	v4 =	vadd.s32 $0x1, v7;
	v0 =	vld [tilespmem:s4+$0x30];
	(pc) =	sbr.rel @p0 .LBB2_6-.Ltmp2, $4  }
0x9b: {  	[tilespmem:s4+$0xFFFFFFC0] =	vst v1;
	v2 =	vnsel vm0, $0x1, v2;
	vm0 =	vlt.u32 v4, $0x16;
	v6 =	vadd.s32 $0x1, v6;
	v1 =	vld [tilespmem:s4+$0x40]  }
0x9c: {  	[tilespmem:s4+$0xFFFFFFD0] =	vst v2;
	v4 =	vnsel vm0, $0x1, v4;
	vm0 =	vlt.u32 v6, $0x16;
	v7 =	vadd.s32 $0x1, v5;
	v2 =	vld [tilespmem:s4+$0x50]  }
0x9d: {  	[tilespmem:s4+$0xFFFFFFE0] =	vst v4;
	v6 =	vnsel vm0, $0x1, v6;
	vm0 =	vlt.u32 v7, $0x16;
	v5 =	vadd.s32 $0x1, v3;
	v3 =	vld [tilespmem:s4+$0x60]  }
0x9e: {  	s4 =	sadd.s32 $0x100, s4;
	v4 =	vld [tilespmem:s0+$0xFFFFFF80];
	[tilespmem:s0+$0xFFFFFFF0] =	vst v6;
	v7 =	vnsel vm0, $0x1, v7;
	vm0 =	vlt.u32 v5, $0x16;
	v6 =	vadd.s32 $0x1, v8  }
0x9f: {  	[tilespmem:s0+$0x0] =	vst v7;
	v5 =	vnsel vm0, $0x1, v5;
	vm0 =	vlt.u32 v6, $0x16;
	v0 =	vadd.s32 $0x1, v0  }
0xa0: {  	[tilespmem:s0+$0x10] =	vst v5;
	v5 =	vnsel vm0, $0x1, v6;
	vm0 =	vlt.u32 v0, $0x16;
	v1 =	vadd.s32 $0x1, v1  }
0xa1: {  	[tilespmem:s0+$0x20] =	vst v5;
	v0 =	vnsel vm0, $0x1, v0;
	vm0 =	vlt.u32 v1, $0x16;
	v2 =	vadd.s32 $0x1, v2  }
0xa2: {  	[tilespmem:s0+$0x30] =	vst v0;
	v0 =	vnsel vm0, $0x1, v1;
	vm0 =	vlt.u32 v2, $0x16;
	v1 =	vadd.s32 $0x1, v3  }
0xa3: {  	v3 =	vadd.s32 $0x1, v4;
	[tilespmem:s0+$0x40] =	vst v0;
	v0 =	vnsel vm0, $0x1, v2;
	vm0 =	vlt.u32 v1, $0x16  }
0xa4: {  	vm1 =	vlt.u32 v3, $0x16;
	[tilespmem:s0+$0x50] =	vst v0;
	v0 =	vnsel vm0, $0x1, v1  }
0xa5: {  	v1 =	vnsel vm1, $0x1, v3;
	[tilespmem:s0+$0x60] =	vst v0  }
0xa6: {  	[tilespmem:s0+$0xFFFFFF80] =	vst v1  }
0xa7: {  	[hbm4b:s13+s16] =	stream.strided.scatter [tilespmem:s21], [sflag:$0x5], $0xC00, s17, s16, $0x38;
	[tilespmem:$0x4000] =	vst v63  }
0xa8: {  	s4 =	sadd.s32 $0xC000, s13  }
0xa9: {  	[hbm4b:s4+s2] =	stream.linear.scatter [tilespmem:s22], [sflag:$0x5], $0x100, $0x38;
	[tilespmem:$0x4000] =	vst v63  }
0xaa: {  	_ =	swait.ge [sflag:s29], $0xD00  }
0xab: {  	[sflag:s29] =	ssyncset.done $0x0  }
0xac: {  	s0 =	simm.s32 $0x3080;
	[sflag:s29] =	ssyncadd.s32 $0xFFFFF300  }
0xad: {  	v0 =	vld [tilespmem:s0+$0x70]  }
0xae: {  	v1 =	vld [tilespmem:s0+$0xFFFFFF90]  }
0xaf: {  	v2 =	vld [tilespmem:s0+$0xFFFFFFA0]  }
0xb0: {  	v3 =	vld [tilespmem:s0+$0xFFFFFFB0]  }
0xb1: {  	v4 =	vld [tilespmem:s0+$0xFFFFFFC0]  }
0xb2: {  	v5 =	vld [tilespmem:s0+$0xFFFFFFD0];
	v0 =	vadd.s32 $0x1, v0  }
0xb3: {  	v6 =	vld [tilespmem:s0+$0xFFFFFFE0];
	v1 =	vadd.s32 $0x1, v1;
	vm0 =	vlt.u32 v0, $0x16  }
0xb4: {  	v7 =	vld [tilespmem:s0+$0xFFFFFFF0];
	v2 =	vadd.s32 $0x1, v2;
	vm1 =	vlt.u32 v1, $0x16;
	v0 =	vnsel vm0, $0x1, v0  }
0xb5: {  	v8 =	vld [tilespmem:s0+$0x0];
	v3 =	vadd.s32 $0x1, v3;
	v1 =	vnsel vm1, $0x1, v1;
	vm0 =	vlt.u32 v2, $0x16;
	[tilespmem:s0+$0x70] =	vst v0  }
0xb6: {  	[tilespmem:s0+$0xFFFFFF90] =	vst v1;
	v0 =	vnsel vm0, $0x1, v2;
	vm0 =	vlt.u32 v3, $0x16;
	v1 =	vadd.s32 $0x1, v4;
	v4 =	vld [tilespmem:s0+$0x10]  }
0xb7: {  	v9 =	vld [tilespmem:s0+$0x20];
	v2 =	vadd.s32 $0x1, v5;
	[tilespmem:s0+$0xFFFFFFA0] =	vst v0;
	v0 =	vnsel vm0, $0x1, v3;
	vm0 =	vlt.u32 v1, $0x16  }
0xb8: {  	v3 =	vadd.s32 $0x1, v6;
	[tilespmem:s0+$0xFFFFFFB0] =	vst v0;
	v1 =	vnsel vm0, $0x1, v1;
	vm0 =	vlt.u32 v2, $0x16;
	v0 =	vld [tilespmem:s0+$0x30]  }
0xb9: {  	v5 =	vadd.s32 $0x1, v7;
	[tilespmem:s0+$0xFFFFFFC0] =	vst v1;
	v2 =	vnsel vm0, $0x1, v2;
	vm0 =	vlt.u32 v3, $0x16;
	v1 =	vld [tilespmem:s0+$0x40]  }
0xba: {  	v6 =	vadd.s32 $0x1, v8;
	[tilespmem:s0+$0xFFFFFFD0] =	vst v2;
	v3 =	vnsel vm0, $0x1, v3;
	vm0 =	vlt.u32 v5, $0x16;
	v2 =	vld [tilespmem:s0+$0x50]  }
0xbb: {  	[tilespmem:s0+$0xFFFFFFE0] =	vst v3;
	v7 =	vnsel vm0, $0x1, v5;
	vm0 =	vlt.u32 v6, $0x16;
	v5 =	vadd.s32 $0x1, v4;
	v3 =	vld [tilespmem:s0+$0x60]  }
0xbc: {  	s1 =	simm.s32 $0x0;
	s4 =	simm.s32 $0x3180;
	v4 =	vld [tilespmem:s0+$0xFFFFFF80];
	[tilespmem:s0+$0xFFFFFFF0] =	vst v7;
	v7 =	vnsel vm0, $0x1, v6;
	vm0 =	vlt.u32 v5, $0x16;
	v6 =	vadd.s32 $0x1, v9  }
.LBB2_8:
0xbd: {  	v8 =	vld [tilespmem:s4+$0x70];
	s1 =	sadd.s32 $0x100, s1;
	[tilespmem:s0+$0x0] =	vst v7;
	v5 =	vnsel vm0, $0x1, v5;
	vm0 =	vlt.u32 v6, $0x16;
	v0 =	vadd.s32 $0x1, v0  }
0xbe: {  	v7 =	vld [tilespmem:s4+$0xFFFFFF90];
	p0 =	slt.u32 s1, $0xC00;
	[tilespmem:s0+$0x10] =	vst v5;
	v5 =	vnsel vm0, $0x1, v6;
	vm0 =	vlt.u32 v0, $0x16;
	v1 =	vadd.s32 $0x1, v1  }
0xbf: {  	v6 =	vld [tilespmem:s4+$0xFFFFFFA0];
	[tilespmem:s0+$0x20] =	vst v5;
	v0 =	vnsel vm0, $0x1, v0;
	vm0 =	vlt.u32 v1, $0x16;
	v2 =	vadd.s32 $0x1, v2  }
0xc0: {  	v5 =	vld [tilespmem:s4+$0xFFFFFFB0];
	[tilespmem:s0+$0x30] =	vst v0;
	v0 =	vnsel vm0, $0x1, v1;
	vm0 =	vlt.u32 v2, $0x16;
	v1 =	vadd.s32 $0x1, v3  }
0xc1: {  	v3 =	vld [tilespmem:s4+$0xFFFFFFC0];
	v4 =	vadd.s32 $0x1, v4;
	[tilespmem:s0+$0x40] =	vst v0;
	v0 =	vnsel vm0, $0x1, v2;
	vm0 =	vlt.u32 v1, $0x16  }
0xc2: {  	v2 =	vld [tilespmem:s4+$0xFFFFFFD0];
	v8 =	vadd.s32 $0x1, v8;
	vm1 =	vlt.u32 v4, $0x16;
	[tilespmem:s0+$0x50] =	vst v0;
	v0 =	vnsel vm0, $0x1, v1  }
0xc3: {  	v1 =	vadd.s32 $0x1, v7;
	v7 =	vld [tilespmem:s4+$0xFFFFFFE0];
	vm0 =	vlt.u32 v8, $0x16;
	v4 =	vnsel vm1, $0x1, v4;
	[tilespmem:s0+$0x60] =	vst v0  }
0xc4: {  	vm1 =	vlt.u32 v1, $0x16;
	v0 =	vadd.s32 $0x1, v6;
	v6 =	vld [tilespmem:s4+$0xFFFFFFF0];
	v8 =	vnsel vm0, $0x1, v8;
	[tilespmem:s0+$0xFFFFFF80] =	vst v4;
	s0 =	smov.u32 s4  }
0xc5: {  	v1 =	vnsel vm1, $0x1, v1;
	vm0 =	vlt.u32 v0, $0x16;
	v4 =	vadd.s32 $0x1, v5;
	v5 =	vld [tilespmem:s4+$0x0];
	[tilespmem:s4+$0x70] =	vst v8  }
0xc6: {  	[tilespmem:s4+$0xFFFFFF90] =	vst v1;
	v0 =	vnsel vm0, $0x1, v0;
	vm0 =	vlt.u32 v4, $0x16;
	v1 =	vadd.s32 $0x1, v3;
	v3 =	vld [tilespmem:s4+$0x10]  }
0xc7: {  	[tilespmem:s4+$0xFFFFFFA0] =	vst v0;
	v0 =	vnsel vm0, $0x1, v4;
	vm0 =	vlt.u32 v1, $0x16;
	v2 =	vadd.s32 $0x1, v2;
	v8 =	vld [tilespmem:s4+$0x20]  }
.Ltmp3:
0xc8: {  	[tilespmem:s4+$0xFFFFFFB0] =	vst v0;
	v1 =	vnsel vm0, $0x1, v1;
	vm0 =	vlt.u32 v2, $0x16;
	v4 =	vadd.s32 $0x1, v7;
	v0 =	vld [tilespmem:s4+$0x30];
	(pc) =	sbr.rel @p0 .LBB2_8-.Ltmp3, $4  }
0xc9: {  	[tilespmem:s4+$0xFFFFFFC0] =	vst v1;
	v2 =	vnsel vm0, $0x1, v2;
	vm0 =	vlt.u32 v4, $0x16;
	v6 =	vadd.s32 $0x1, v6;
	v1 =	vld [tilespmem:s4+$0x40]  }
0xca: {  	[tilespmem:s4+$0xFFFFFFD0] =	vst v2;
	v4 =	vnsel vm0, $0x1, v4;
	vm0 =	vlt.u32 v6, $0x16;
	v7 =	vadd.s32 $0x1, v5;
	v2 =	vld [tilespmem:s4+$0x50]  }
0xcb: {  	[tilespmem:s4+$0xFFFFFFE0] =	vst v4;
	v6 =	vnsel vm0, $0x1, v6;
	vm0 =	vlt.u32 v7, $0x16;
	v5 =	vadd.s32 $0x1, v3;
	v3 =	vld [tilespmem:s4+$0x60]  }
0xcc: {  	s4 =	sadd.s32 $0x100, s4;
	v4 =	vld [tilespmem:s0+$0xFFFFFF80];
	[tilespmem:s0+$0xFFFFFFF0] =	vst v6;
	v7 =	vnsel vm0, $0x1, v7;
	vm0 =	vlt.u32 v5, $0x16;
	v6 =	vadd.s32 $0x1, v8  }
0xcd: {  	[tilespmem:s0+$0x0] =	vst v7;
	v5 =	vnsel vm0, $0x1, v5;
	vm11 =	vlt.u32 v6, $0x16;
	v0 =	vadd.s32 $0x1, v0  }
0xce: {  	[tilespmem:s0+$0x10] =	vst v5;
	v57 =	vnsel vm11, $0x1, v6;
	vm12 =	vlt.u32 v0, $0x16;
	v1 =	vadd.s32 $0x1, v1  }
0xcf: {  	[tilespmem:s0+$0x20] =	vst v57;
	v0 =	vnsel vm12, $0x1, v0;
	vm13 =	vlt.u32 v1, $0x16;
	v2 =	vadd.s32 $0x1, v2  }
0xd0: {  	[tilespmem:s0+$0x30] =	vst v0;
	v58 =	vnsel vm13, $0x1, v1;
	vm14 =	vlt.u32 v2, $0x16;
	v59 =	vadd.s32 $0x1, v3  }
0xd1: {  	v60 =	vadd.s32 $0x1, v4;
	[tilespmem:s0+$0x40] =	vst v58;
	v61 =	vnsel vm14, $0x1, v2;
	vm15 =	vlt.u32 v59, $0x16  }
0xd2: {  	vm1 =	vlt.u32 v60, $0x16;
	[tilespmem:s0+$0x50] =	vst v61;
	v62 =	vnsel vm15, $0x1, v59  }
0xd3: {  	v63 =	vnsel vm1, $0x1, v60;
	[tilespmem:s0+$0x60] =	vst v62  }
0xd4: {  	[tilespmem:s0+$0xFFFFFF80] =	vst v63  }
0xd5: {  	[hbm4b:s14+s16] =	stream.strided.scatter [tilespmem:s23], [sflag:$0x5], $0xC00, s17, s16, $0x38;
	[tilespmem:$0x4000] =	vst v63  }
0xd6: {  	s4 =	sadd.s32 $0xC000, s14  }
0xd7: {  	[hbm4b:s4+s2] =	stream.linear.scatter [tilespmem:s24], [sflag:$0x5], $0x100, $0x38;
	[tilespmem:$0x4000] =	vst v63  }
0xd8: {  	_ =	swait.ge [sflag:s30], $0xD00  }
0xd9: {  	[sflag:s30] =	ssyncset.done $0x0  }
0xda: {  	[sflag:s30] =	ssyncadd.s32 $0xFFFFF300  }
0xdb: {  	_ =	swait.ge [sflag:s30], $0xD00  }
0xdc: {  	[sflag:s30] =	ssyncset.done $0x0  }
0xdd: {  	s31 =	sadd.s32 $0x1, s31;
	[sflag:s30] =	ssyncadd.s32 $0xFFFFF300  }
0xde: {  	p0 =	sne.s32 s31, s15;
	_ =	swait.ge [sflag:s30], $0xD00  }
.Ltmp4:
0xdf: {  	[sflag:s30] =	ssyncset.done $0x0;
	(pc) =	sbr.rel @p0 .LBB2_1-.Ltmp4, $4  }
0xe0: {  	[sflag:s30] =	ssyncadd.s32 $0xFFFFF300  }
0xe1: {  	_ =	swait.ge [sflag:s30], $0xD00  }
0xe2: {  	[sflag:s30] =	ssyncset.done $0x0  }
0xe3: {  	[sflag:s30] =	ssyncadd.s32 $0xFFFFF300  }
0xe4: {  	_ =	sfence.sel $0x180000  }
0xe5: {  	[bflag:$0x0] =	sbarrier.arrive $0xFFFF  }
0xe6: {  	_ =	strace $0x90000047  }
0xe7: {  	s0 =	stileid.u32;
	[bflag:$0x2] =	sbarrier.arrive $0xFFFF  }
0xe8: {  	p0 =	sne.s32 s0, $0x0;
	s0 =	rddreg [dreg:$0x2]  }
0xe9: {  	s0 =	sadd.s32 @!p0 $0x100000, s0  }
0xea: {  	[sflag:s0] =	ssyncadd.tile.s32 @!p0 $0x1;
	_ =	shalt  }
.Lfunc_end2:
_tile_overlayer_lowered:
.L_overlay_start_2:
0xeb: {  	(tag) =	ssettag $0x2  }
0xec: {  	s0 =	rddreg [dreg:$0x0];
	s2 =	stileid.u32  }
0xed: {  	s1 =	rddreg [dreg:$0x1];
	p0 =	sne.s32 s2, $0x0  }
0xee: {  	s3 =	rddreg [dreg:$0x2];
	[bflag:$0x3] =	sbarrier.arrive $0xFFFF;
	s2 =	simm.s32 @!p0 $0x1C06  }
0xef: {  	[timem:s3], [sflag:s2] =	dma.local @!p0 [hbm:s0], s1  }
0xf0: {  	s0 =	simm.s32 @!p0 $0x6  }
0xf1: {  	_ =	swait.ge @!p0 [sflag:s0], s1  }
0xf2: {  	s1 =	ssub.s32 @!p0 $0x0, s1;
	[sflag:s0] =	ssyncset.done @!p0 $0x0  }
0xf3: {  	[sflag:s0] =	ssyncadd.s32 @!p0 s1  }
0xf4: {  	[bflag:$0x3] =	sbarrier.arrive $0xFFFF  }
0xf5: {  	_ =	shalt  }

</sc_bundles>
